<compile_context>
chip_gen: v7x
topology: tpu7x:2x2x1
jax: 0.10.2.dev20260603
libtpu: 0.0.44.dev20260713+nightly
codegen_flags: <defaults>
</compile_context>

<pallas_src>
import functools

import jax
import jax.numpy as jnp
from jax import lax
from jax.experimental import pallas as pl
from jax.experimental.pallas import tpu as pltpu
from jax.experimental.pallas import tpu_sc as plsc

N_NODES = 10000
NNZ = 320000
D_FEAT = 128

NUM_CORES = 2
NUM_SUBCORES = 16
NW = NUM_CORES * NUM_SUBCORES
PER_W = NNZ // NW
CHUNK = 64
NBUF = 5
N_FULL_CHUNKS = PER_W // CHUNK
TAIL_ROWS = PER_W - N_FULL_CHUNKS * CHUNK
N_ROUNDS = N_FULL_CHUNKS // NBUF - 1
N_PEEL = N_FULL_CHUNKS - NBUF * (N_ROUNDS + 1)
STAGE_ROWS = 624
STAGE_LAST = N_NODES - 15 * STAGE_ROWS
assert CHUNK % 8 == 0 and TAIL_ROWS % 8 == 0 and 0 <= N_PEEL < NBUF
assert TAIL_ROWS == 0 or N_PEEL + 1 <= NBUF


@functools.partial(
    pl.kernel,
    out_type=jax.ShapeDtypeStruct((NNZ, D_FEAT), jnp.float32),
    mesh=plsc.VectorSubcoreMesh(core_axis_name="c", subcore_axis_name="s"),
    scratch_types=[
        pltpu.VMEM_SHARED((N_NODES, D_FEAT), jnp.float32),
        pltpu.VMEM((PER_W,), jnp.int32),
    ]
    + [pltpu.VMEM((CHUNK, D_FEAT), jnp.float32) for _ in range(NBUF)]
    + [pltpu.SemaphoreType.DMA for _ in range(NBUF)],
)
def _unpool(x_hbm, idx_hbm, out_hbm, x_spmem, idx_v, *bufs_and_sems):
    bufs = bufs_and_sems[:NBUF]
    sems = bufs_and_sems[NBUF:]
    sid = lax.axis_index("s").astype(jnp.int32)
    wid = sid * jnp.int32(NUM_CORES) + lax.axis_index("c").astype(jnp.int32)
    base = wid * jnp.int32(PER_W)

    xoff = sid * jnp.int32(STAGE_ROWS)

    @pl.when(sid < jnp.int32(NUM_SUBCORES - 1))
    def _():
        pltpu.sync_copy(
            x_hbm.at[pl.ds(xoff, STAGE_ROWS)],
            x_spmem.at[pl.ds(xoff, STAGE_ROWS)],
        )

    @pl.when(sid == jnp.int32(NUM_SUBCORES - 1))
    def _():
        pltpu.sync_copy(
            x_hbm.at[pl.ds(xoff, STAGE_LAST)],
            x_spmem.at[pl.ds(xoff, STAGE_LAST)],
        )

    pltpu.sync_copy(idx_hbm.at[wid], idx_v)
    plsc.subcore_barrier()

    def start_gather(c, b):
        pltpu.async_copy(
            x_spmem.at[idx_v.at[pl.ds(c * jnp.int32(CHUNK), CHUNK)]],
            bufs[b],
            sems[b],
        )

    def wait_buf_dma(b):
        pltpu.make_async_copy(
            out_hbm.at[pl.ds(jnp.int32(0), CHUNK)], bufs[b], sems[b]
        ).wait()

    def start_store(c, b):
        off = base + c * jnp.int32(CHUNK)
        pltpu.async_copy(bufs[b], out_hbm.at[pl.ds(off, CHUNK)], sems[b])

    for b in range(NBUF):
        start_gather(jnp.int32(b), b)
    for b in range(NBUF):
        wait_buf_dma(b)
        start_store(jnp.int32(b), b)

    def body(g, _):
        for b in range(NBUF):
            c = g * jnp.int32(NBUF) + jnp.int32(b)
            wait_buf_dma(b)
            start_gather(c, b)
        for b in range(NBUF):
            c = g * jnp.int32(NBUF) + jnp.int32(b)
            wait_buf_dma(b)
            start_store(c, b)
        return ()

    lax.fori_loop(
        jnp.int32(1), jnp.int32(N_ROUNDS + 1), body, (), unroll=False
    )

    for t in range(N_PEEL):
        wait_buf_dma(t)
        start_gather(jnp.int32(NBUF * (N_ROUNDS + 1) + t), t)
    tb = N_PEEL
    tail_ioff = jnp.int32(N_FULL_CHUNKS * CHUNK)
    if TAIL_ROWS:
        wait_buf_dma(tb)
        pltpu.async_copy(
            x_spmem.at[idx_v.at[pl.ds(tail_ioff, TAIL_ROWS)]],
            bufs[tb].at[pl.ds(jnp.int32(0), TAIL_ROWS)],
            sems[tb],
        )
    for t in range(N_PEEL):
        wait_buf_dma(t)
        start_store(jnp.int32(NBUF * (N_ROUNDS + 1) + t), t)
    if TAIL_ROWS:
        tail_dst = out_hbm.at[pl.ds(base + tail_ioff, TAIL_ROWS)]
        pltpu.make_async_copy(
            out_hbm.at[pl.ds(jnp.int32(0), TAIL_ROWS)],
            bufs[tb].at[pl.ds(jnp.int32(0), TAIL_ROWS)],
            sems[tb],
        ).wait()
        pltpu.async_copy(
            bufs[tb].at[pl.ds(jnp.int32(0), TAIL_ROWS)], tail_dst, sems[tb]
        )
        pltpu.make_async_copy(
            bufs[tb].at[pl.ds(jnp.int32(0), TAIL_ROWS)], tail_dst, sems[tb]
        ).wait()
    for b in range(NBUF):
        if TAIL_ROWS and b == tb:
            continue
        wait_buf_dma(b)


def kernel(X, tarX_indices):
    idx = tarX_indices[0].astype(jnp.int32).reshape(NW, PER_W)
    return _unpool(X, idx)

# --- scband reference (transcript-rebuilt; emitter-appended) ---
"""Pipeline reference for scband-op-unpooling-42666205119397 (READ-ONLY COPY).

The authoritative reference and input builder live on the scoring server;
editing this copy changes nothing except your own understanding.
"""

import jax
jax.config.update("jax_enable_x64", True)
import jax.numpy as jnp
import numpy as np

N_NODES = 10000
NNZ = 320000
D_FEAT = 128

# OpUnpooling(dims=[1]) on a dense X and a sparse_dim=2 target SparseTensor tarX:
#   leftdim = {0,1} - {1} = {0}
#   out = tarX.unpooling_fromdense1dim(0, X)
# i.e. for every nonzero tuple (i, j) of tarX, the output value row is X[i].
# This is a pure row-gather of X by the leftdim coordinates of tarX's indices,
# producing a SparseTensor with the same indices as tarX and values of shape [nnz, d].

def setup_inputs(seed: int = 0) -> dict:
    key = jax.random.key(seed)
    k1, k2 = jax.random.split(key)
    X = jax.random.normal(k1, (N_NODES, D_FEAT), dtype=jnp.float32)
    tarX_indices = jax.random.randint(k2, (2, NNZ), 0, N_NODES, dtype=jnp.int64)
    # SparseTensor keeps indices sorted lexicographically; sort by leftdim (row) for realism
    order = jnp.argsort(tarX_indices[0])
    tarX_indices = tarX_indices[:, order]
    return {"X": X, "tarX_indices": tarX_indices}


def reference(X, tarX_indices):
    # unpooling_fromdense1dim(leftdim=0, X): gather dense rows of X at the
    # leftdim coordinate of every nonzero of tarX -> new sparse values
    leftdim_coords = tarX_indices[0]
    out_values = jnp.take(X, leftdim_coords, axis=0)  # [nnz, d_feat]
    return out_values

if __name__ == "__main__":
    import jax
    _d = setup_inputs()
    print(jax.jit(kernel)(*tuple(_d.values())))

</pallas_src>

<mosaic_0001>
#map = affine_map<(d0, d1) -> (0, 0)>
module attributes {stable_mosaic.version = 14 : i64} {
  func.func @_unpool(%arg0: i32, %arg1: i32, %arg2: memref<10000x128xf32, #tpu.memory_space<hbm>>, %arg3: memref<32x10000xi32, #tpu.memory_space<hbm>>, %arg4: memref<320000x128xf32, #tpu.memory_space<hbm>>, %arg5: memref<10000x128xf32, #tpu.memory_space<vmem_shared>>, %arg6: memref<10000xi32, #tpu.memory_space<vmem>>, %arg7: memref<64x128xf32, #tpu.memory_space<vmem>>, %arg8: memref<64x128xf32, #tpu.memory_space<vmem>>, %arg9: memref<64x128xf32, #tpu.memory_space<vmem>>, %arg10: memref<64x128xf32, #tpu.memory_space<vmem>>, %arg11: memref<64x128xf32, #tpu.memory_space<vmem>>, %arg12: memref<!tpu.dma_semaphore, #tpu.memory_space<semaphore_mem>>, %arg13: memref<!tpu.dma_semaphore, #tpu.memory_space<semaphore_mem>>, %arg14: memref<!tpu.dma_semaphore, #tpu.memory_space<semaphore_mem>>, %arg15: memref<!tpu.dma_semaphore, #tpu.memory_space<semaphore_mem>>, %arg16: memref<!tpu.dma_semaphore, #tpu.memory_space<semaphore_mem>>) attributes {dimension_semantics = [#tpu.dimension_semantics<core_parallel>, #tpu.dimension_semantics<subcore_parallel>], iteration_bounds = array<i64: 2, 16>, scalar_prefetch = 0 : i64, scratch_operands = 12 : i64, tpu.core_type = #tpu.core_type<sc_vector_subcore>, window_params = [{transform_indices = #map}, {transform_indices = #map}, {transform_indices = #map}]} {
    %mul3A = arith.constant 2 : i32
    %mul3A_0 = arith.muli %arg1, %mul3A : i32
    %add3A = arith.addi %mul3A_0, %arg0 : i32
    %mul3A_1 = arith.constant 10000 : i32
    %mul3A_2 = arith.muli %add3A, %mul3A_1 : i32
    %mul3A_3 = arith.constant 624 : i32
    %mul3A_4 = arith.muli %arg1, %mul3A_3 : i32
    %lt3A = arith.constant 15 : i32
    %lt3A_5 = arith.cmpi slt, %arg1, %lt3A : i32
    %convert_element_type3A = arith.extui %lt3A_5 : i1 to i32
    %cond3A = arith.constant 0 : i32
    %cond3A_6 = arith.cmpi ne, %convert_element_type3A, %cond3A : i32
    scf.if %cond3A_6 {
      "tpu.region"() ({
        %run_scoped3A = tpu.sem_alloc : memref<!tpu.dma_semaphore, #tpu.memory_space<semaphore_mem>>
        %dma_start3A_206 = arith.constant 0 : i32
        %dma_start3A_207 = tpu.memref_slice %arg5[%mul3A_4, %dma_start3A_206] : memref<10000x128xf32, #tpu.memory_space<vmem_shared>> -> memref<624x128xf32, #tpu.memory_space<vmem_shared>>
        %dma_start3A_208 = arith.constant 0 : i32
        %dma_start3A_209 = tpu.memref_slice %arg2[%mul3A_4, %dma_start3A_208] : memref<10000x128xf32, #tpu.memory_space<hbm>> -> memref<624x128xf32, #tpu.memory_space<hbm>>
        tpu.enqueue_dma source(%dma_start3A_209 : memref<624x128xf32, #tpu.memory_space<hbm>>) target(%dma_start3A_207 : memref<624x128xf32, #tpu.memory_space<vmem_shared>>) target_semaphore(%run_scoped3A : memref<!tpu.dma_semaphore, #tpu.memory_space<semaphore_mem>>)
        %dma_wait3A_210 = arith.constant 0 : i32
        %dma_wait3A_211 = tpu.memref_slice %arg5[%mul3A_4, %dma_wait3A_210] : memref<10000x128xf32, #tpu.memory_space<vmem_shared>> -> memref<624x128xf32, #tpu.memory_space<vmem_shared>>
        %dma_wait3A_212 = arith.constant 0 : i32
        %dma_wait3A_213 = tpu.memref_slice %arg2[%mul3A_4, %dma_wait3A_212] : memref<10000x128xf32, #tpu.memory_space<hbm>> -> memref<624x128xf32, #tpu.memory_space<hbm>>
        tpu.wait_dma2 semaphore(%run_scoped3A : memref<!tpu.dma_semaphore, #tpu.memory_space<semaphore_mem>>) src(%dma_wait3A_213 : memref<624x128xf32, #tpu.memory_space<hbm>>) dst(%dma_wait3A_211 : memref<624x128xf32, #tpu.memory_space<vmem_shared>>)
        tpu.yield
      }) : () -> ()
    } else {
    }
    %eq3A = arith.constant 15 : i32
    %eq3A_7 = arith.cmpi eq, %arg1, %eq3A : i32
    %convert_element_type3A_8 = arith.extui %eq3A_7 : i1 to i32
    %cond3A_9 = arith.constant 0 : i32
    %cond3A_10 = arith.cmpi ne, %convert_element_type3A_8, %cond3A_9 : i32
    scf.if %cond3A_10 {
      "tpu.region"() ({
        %run_scoped3A = tpu.sem_alloc : memref<!tpu.dma_semaphore, #tpu.memory_space<semaphore_mem>>
        %dma_start3A_206 = arith.constant 0 : i32
        %dma_start3A_207 = tpu.memref_slice %arg5[%mul3A_4, %dma_start3A_206] : memref<10000x128xf32, #tpu.memory_space<vmem_shared>> -> memref<640x128xf32, #tpu.memory_space<vmem_shared>>
        %dma_start3A_208 = arith.constant 0 : i32
        %dma_start3A_209 = tpu.memref_slice %arg2[%mul3A_4, %dma_start3A_208] : memref<10000x128xf32, #tpu.memory_space<hbm>> -> memref<640x128xf32, #tpu.memory_space<hbm>>
        tpu.enqueue_dma source(%dma_start3A_209 : memref<640x128xf32, #tpu.memory_space<hbm>>) target(%dma_start3A_207 : memref<640x128xf32, #tpu.memory_space<vmem_shared>>) target_semaphore(%run_scoped3A : memref<!tpu.dma_semaphore, #tpu.memory_space<semaphore_mem>>)
        %dma_wait3A_210 = arith.constant 0 : i32
        %dma_wait3A_211 = tpu.memref_slice %arg5[%mul3A_4, %dma_wait3A_210] : memref<10000x128xf32, #tpu.memory_space<vmem_shared>> -> memref<640x128xf32, #tpu.memory_space<vmem_shared>>
        %dma_wait3A_212 = arith.constant 0 : i32
        %dma_wait3A_213 = tpu.memref_slice %arg2[%mul3A_4, %dma_wait3A_212] : memref<10000x128xf32, #tpu.memory_space<hbm>> -> memref<640x128xf32, #tpu.memory_space<hbm>>
        tpu.wait_dma2 semaphore(%run_scoped3A : memref<!tpu.dma_semaphore, #tpu.memory_space<semaphore_mem>>) src(%dma_wait3A_213 : memref<640x128xf32, #tpu.memory_space<hbm>>) dst(%dma_wait3A_211 : memref<640x128xf32, #tpu.memory_space<vmem_shared>>)
        tpu.yield
      }) : () -> ()
    } else {
    }
    "tpu.region"() ({
      %run_scoped3A = tpu.sem_alloc : memref<!tpu.dma_semaphore, #tpu.memory_space<semaphore_mem>>
      %dma_start3A_206 = arith.constant 0 : i32
      %dma_start3A_207 = tpu.memref_slice %arg3[%add3A, %dma_start3A_206] : memref<32x10000xi32, #tpu.memory_space<hbm>> -> memref<1x10000xi32, #tpu.memory_space<hbm>>
      %dma_start3A_208 = tpu.memref_squeeze %dma_start3A_207 : memref<1x10000xi32, #tpu.memory_space<hbm>> -> memref<10000xi32, #tpu.memory_space<hbm>>
      %dma_start3A_209 = arith.constant 0 : i32
      %dma_start3A_210 = tpu.memref_slice %arg3[%add3A, %dma_start3A_209] : memref<32x10000xi32, #tpu.memory_space<hbm>> -> memref<1x10000xi32, #tpu.memory_space<hbm>>
      %dma_start3A_211 = tpu.memref_squeeze %dma_start3A_210 : memref<1x10000xi32, #tpu.memory_space<hbm>> -> memref<10000xi32, #tpu.memory_space<hbm>>
      tpu.enqueue_dma source(%dma_start3A_211 : memref<10000xi32, #tpu.memory_space<hbm>>) target(%arg6 : memref<10000xi32, #tpu.memory_space<vmem>>) target_semaphore(%run_scoped3A : memref<!tpu.dma_semaphore, #tpu.memory_space<semaphore_mem>>)
      %dma_wait3A_212 = arith.constant 0 : i32
      %dma_wait3A_213 = tpu.memref_slice %arg3[%add3A, %dma_wait3A_212] : memref<32x10000xi32, #tpu.memory_space<hbm>> -> memref<1x10000xi32, #tpu.memory_space<hbm>>
      %dma_wait3A_214 = tpu.memref_squeeze %dma_wait3A_213 : memref<1x10000xi32, #tpu.memory_space<hbm>> -> memref<10000xi32, #tpu.memory_space<hbm>>
      %dma_wait3A_215 = arith.constant 0 : i32
      %dma_wait3A_216 = tpu.memref_slice %arg3[%add3A, %dma_wait3A_215] : memref<32x10000xi32, #tpu.memory_space<hbm>> -> memref<1x10000xi32, #tpu.memory_space<hbm>>
      %dma_wait3A_217 = tpu.memref_squeeze %dma_wait3A_216 : memref<1x10000xi32, #tpu.memory_space<hbm>> -> memref<10000xi32, #tpu.memory_space<hbm>>
      tpu.wait_dma2 semaphore(%run_scoped3A : memref<!tpu.dma_semaphore, #tpu.memory_space<semaphore_mem>>) src(%dma_wait3A_217 : memref<10000xi32, #tpu.memory_space<hbm>>) dst(%arg6 : memref<10000xi32, #tpu.memory_space<vmem>>)
      tpu.yield
    }) : () -> ()
    %barrier3A = arith.constant 0 : index
    tpu.barrier barrier_id(%barrier3A)
    %mul3A_11 = arith.constant 0 : i32
    %mul3A_12 = arith.constant 64 : i32
    %mul3A_13 = arith.muli %mul3A_11, %mul3A_12 : i32
    %dma_start3A = tpu.memref_slice %arg6[%mul3A_13] : memref<10000xi32, #tpu.memory_space<vmem>> -> memref<64xi32, #tpu.memory_space<vmem>>
    %dma_start3A_14 = arith.constant 0 : i32
    %dma_start3A_15 = arith.constant 0 : i32
    %dma_start3A_16 = tpu.memref_slice %arg5[%dma_start3A_14, %dma_start3A_15] : memref<10000x128xf32, #tpu.memory_space<vmem_shared>> -> memref<10000x128xf32, #tpu.memory_space<vmem_shared>>
    tpu.enqueue_indirect_dma source(%dma_start3A_16 : memref<10000x128xf32, #tpu.memory_space<vmem_shared>>) target(%arg7 : memref<64x128xf32, #tpu.memory_space<vmem>>) offsets(%dma_start3A : memref<64xi32, #tpu.memory_space<vmem>>) semaphore(%arg12 : memref<!tpu.dma_semaphore, #tpu.memory_space<semaphore_mem>>)
    %mul3A_17 = arith.constant 1 : i32
    %mul3A_18 = arith.constant 64 : i32
    %mul3A_19 = arith.muli %mul3A_17, %mul3A_18 : i32
    %dma_start3A_20 = tpu.memref_slice %arg6[%mul3A_19] : memref<10000xi32, #tpu.memory_space<vmem>> -> memref<64xi32, #tpu.memory_space<vmem>>
    %dma_start3A_21 = arith.constant 0 : i32
    %dma_start3A_22 = arith.constant 0 : i32
    %dma_start3A_23 = tpu.memref_slice %arg5[%dma_start3A_21, %dma_start3A_22] : memref<10000x128xf32, #tpu.memory_space<vmem_shared>> -> memref<10000x128xf32, #tpu.memory_space<vmem_shared>>
    tpu.enqueue_indirect_dma source(%dma_start3A_23 : memref<10000x128xf32, #tpu.memory_space<vmem_shared>>) target(%arg8 : memref<64x128xf32, #tpu.memory_space<vmem>>) offsets(%dma_start3A_20 : memref<64xi32, #tpu.memory_space<vmem>>) semaphore(%arg13 : memref<!tpu.dma_semaphore, #tpu.memory_space<semaphore_mem>>)
    %mul3A_24 = arith.constant 2 : i32
    %mul3A_25 = arith.constant 64 : i32
    %mul3A_26 = arith.muli %mul3A_24, %mul3A_25 : i32
    %dma_start3A_27 = tpu.memref_slice %arg6[%mul3A_26] : memref<10000xi32, #tpu.memory_space<vmem>> -> memref<64xi32, #tpu.memory_space<vmem>>
    %dma_start3A_28 = arith.constant 0 : i32
    %dma_start3A_29 = arith.constant 0 : i32
    %dma_start3A_30 = tpu.memref_slice %arg5[%dma_start3A_28, %dma_start3A_29] : memref<10000x128xf32, #tpu.memory_space<vmem_shared>> -> memref<10000x128xf32, #tpu.memory_space<vmem_shared>>
    tpu.enqueue_indirect_dma source(%dma_start3A_30 : memref<10000x128xf32, #tpu.memory_space<vmem_shared>>) target(%arg9 : memref<64x128xf32, #tpu.memory_space<vmem>>) offsets(%dma_start3A_27 : memref<64xi32, #tpu.memory_space<vmem>>) semaphore(%arg14 : memref<!tpu.dma_semaphore, #tpu.memory_space<semaphore_mem>>)
    %mul3A_31 = arith.constant 3 : i32
    %mul3A_32 = arith.constant 64 : i32
    %mul3A_33 = arith.muli %mul3A_31, %mul3A_32 : i32
    %dma_start3A_34 = tpu.memref_slice %arg6[%mul3A_33] : memref<10000xi32, #tpu.memory_space<vmem>> -> memref<64xi32, #tpu.memory_space<vmem>>
    %dma_start3A_35 = arith.constant 0 : i32
    %dma_start3A_36 = arith.constant 0 : i32
    %dma_start3A_37 = tpu.memref_slice %arg5[%dma_start3A_35, %dma_start3A_36] : memref<10000x128xf32, #tpu.memory_space<vmem_shared>> -> memref<10000x128xf32, #tpu.memory_space<vmem_shared>>
    tpu.enqueue_indirect_dma source(%dma_start3A_37 : memref<10000x128xf32, #tpu.memory_space<vmem_shared>>) target(%arg10 : memref<64x128xf32, #tpu.memory_space<vmem>>) offsets(%dma_start3A_34 : memref<64xi32, #tpu.memory_space<vmem>>) semaphore(%arg15 : memref<!tpu.dma_semaphore, #tpu.memory_space<semaphore_mem>>)
    %mul3A_38 = arith.constant 4 : i32
    %mul3A_39 = arith.constant 64 : i32
    %mul3A_40 = arith.muli %mul3A_38, %mul3A_39 : i32
    %dma_start3A_41 = tpu.memref_slice %arg6[%mul3A_40] : memref<10000xi32, #tpu.memory_space<vmem>> -> memref<64xi32, #tpu.memory_space<vmem>>
    %dma_start3A_42 = arith.constant 0 : i32
    %dma_start3A_43 = arith.constant 0 : i32
    %dma_start3A_44 = tpu.memref_slice %arg5[%dma_start3A_42, %dma_start3A_43] : memref<10000x128xf32, #tpu.memory_space<vmem_shared>> -> memref<10000x128xf32, #tpu.memory_space<vmem_shared>>
    tpu.enqueue_indirect_dma source(%dma_start3A_44 : memref<10000x128xf32, #tpu.memory_space<vmem_shared>>) target(%arg11 : memref<64x128xf32, #tpu.memory_space<vmem>>) offsets(%dma_start3A_41 : memref<64xi32, #tpu.memory_space<vmem>>) semaphore(%arg16 : memref<!tpu.dma_semaphore, #tpu.memory_space<semaphore_mem>>)
    %dma_wait3A = arith.constant 0 : i32
    %dma_wait3A_45 = arith.constant 0 : i32
    %dma_wait3A_46 = tpu.memref_slice %arg4[%dma_wait3A, %dma_wait3A_45] : memref<320000x128xf32, #tpu.memory_space<hbm>> -> memref<64x128xf32, #tpu.memory_space<hbm>>
    %dma_wait3A_47 = arith.constant 0 : i32
    %dma_wait3A_48 = tpu.memref_slice %arg4[%dma_wait3A, %dma_wait3A_47] : memref<320000x128xf32, #tpu.memory_space<hbm>> -> memref<64x128xf32, #tpu.memory_space<hbm>>
    tpu.wait_dma2 semaphore(%arg12 : memref<!tpu.dma_semaphore, #tpu.memory_space<semaphore_mem>>) src(%dma_wait3A_48 : memref<64x128xf32, #tpu.memory_space<hbm>>) dst(%arg7 : memref<64x128xf32, #tpu.memory_space<vmem>>)
    %mul3A_49 = arith.constant 0 : i32
    %mul3A_50 = arith.constant 64 : i32
    %mul3A_51 = arith.muli %mul3A_49, %mul3A_50 : i32
    %add3A_52 = arith.addi %mul3A_2, %mul3A_51 : i32
    %dma_start3A_53 = arith.constant 0 : i32
    %dma_start3A_54 = tpu.memref_slice %arg4[%add3A_52, %dma_start3A_53] : memref<320000x128xf32, #tpu.memory_space<hbm>> -> memref<64x128xf32, #tpu.memory_space<hbm>>
    %dma_start3A_55 = arith.constant 0 : i32
    %dma_start3A_56 = tpu.memref_slice %arg4[%add3A_52, %dma_start3A_55] : memref<320000x128xf32, #tpu.memory_space<hbm>> -> memref<64x128xf32, #tpu.memory_space<hbm>>
    tpu.enqueue_dma source(%arg7 : memref<64x128xf32, #tpu.memory_space<vmem>>) target(%dma_start3A_56 : memref<64x128xf32, #tpu.memory_space<hbm>>) target_semaphore(%arg12 : memref<!tpu.dma_semaphore, #tpu.memory_space<semaphore_mem>>)
    %dma_wait3A_57 = arith.constant 0 : i32
    %dma_wait3A_58 = arith.constant 0 : i32
    %dma_wait3A_59 = tpu.memref_slice %arg4[%dma_wait3A_57, %dma_wait3A_58] : memref<320000x128xf32, #tpu.memory_space<hbm>> -> memref<64x128xf32, #tpu.memory_space<hbm>>
    %dma_wait3A_60 = arith.constant 0 : i32
    %dma_wait3A_61 = tpu.memref_slice %arg4[%dma_wait3A_57, %dma_wait3A_60] : memref<320000x128xf32, #tpu.memory_space<hbm>> -> memref<64x128xf32, #tpu.memory_space<hbm>>
    tpu.wait_dma2 semaphore(%arg13 : memref<!tpu.dma_semaphore, #tpu.memory_space<semaphore_mem>>) src(%dma_wait3A_61 : memref<64x128xf32, #tpu.memory_space<hbm>>) dst(%arg8 : memref<64x128xf32, #tpu.memory_space<vmem>>)
    %mul3A_62 = arith.constant 1 : i32
    %mul3A_63 = arith.constant 64 : i32
    %mul3A_64 = arith.muli %mul3A_62, %mul3A_63 : i32
    %add3A_65 = arith.addi %mul3A_2, %mul3A_64 : i32
    %dma_start3A_66 = arith.constant 0 : i32
    %dma_start3A_67 = tpu.memref_slice %arg4[%add3A_65, %dma_start3A_66] : memref<320000x128xf32, #tpu.memory_space<hbm>> -> memref<64x128xf32, #tpu.memory_space<hbm>>
    %dma_start3A_68 = arith.constant 0 : i32
    %dma_start3A_69 = tpu.memref_slice %arg4[%add3A_65, %dma_start3A_68] : memref<320000x128xf32, #tpu.memory_space<hbm>> -> memref<64x128xf32, #tpu.memory_space<hbm>>
    tpu.enqueue_dma source(%arg8 : memref<64x128xf32, #tpu.memory_space<vmem>>) target(%dma_start3A_69 : memref<64x128xf32, #tpu.memory_space<hbm>>) target_semaphore(%arg13 : memref<!tpu.dma_semaphore, #tpu.memory_space<semaphore_mem>>)
    %dma_wait3A_70 = arith.constant 0 : i32
    %dma_wait3A_71 = arith.constant 0 : i32
    %dma_wait3A_72 = tpu.memref_slice %arg4[%dma_wait3A_70, %dma_wait3A_71] : memref<320000x128xf32, #tpu.memory_space<hbm>> -> memref<64x128xf32, #tpu.memory_space<hbm>>
    %dma_wait3A_73 = arith.constant 0 : i32
    %dma_wait3A_74 = tpu.memref_slice %arg4[%dma_wait3A_70, %dma_wait3A_73] : memref<320000x128xf32, #tpu.memory_space<hbm>> -> memref<64x128xf32, #tpu.memory_space<hbm>>
    tpu.wait_dma2 semaphore(%arg14 : memref<!tpu.dma_semaphore, #tpu.memory_space<semaphore_mem>>) src(%dma_wait3A_74 : memref<64x128xf32, #tpu.memory_space<hbm>>) dst(%arg9 : memref<64x128xf32, #tpu.memory_space<vmem>>)
    %mul3A_75 = arith.constant 2 : i32
    %mul3A_76 = arith.constant 64 : i32
    %mul3A_77 = arith.muli %mul3A_75, %mul3A_76 : i32
    %add3A_78 = arith.addi %mul3A_2, %mul3A_77 : i32
    %dma_start3A_79 = arith.constant 0 : i32
    %dma_start3A_80 = tpu.memref_slice %arg4[%add3A_78, %dma_start3A_79] : memref<320000x128xf32, #tpu.memory_space<hbm>> -> memref<64x128xf32, #tpu.memory_space<hbm>>
    %dma_start3A_81 = arith.constant 0 : i32
    %dma_start3A_82 = tpu.memref_slice %arg4[%add3A_78, %dma_start3A_81] : memref<320000x128xf32, #tpu.memory_space<hbm>> -> memref<64x128xf32, #tpu.memory_space<hbm>>
    tpu.enqueue_dma source(%arg9 : memref<64x128xf32, #tpu.memory_space<vmem>>) target(%dma_start3A_82 : memref<64x128xf32, #tpu.memory_space<hbm>>) target_semaphore(%arg14 : memref<!tpu.dma_semaphore, #tpu.memory_space<semaphore_mem>>)
    %dma_wait3A_83 = arith.constant 0 : i32
    %dma_wait3A_84 = arith.constant 0 : i32
    %dma_wait3A_85 = tpu.memref_slice %arg4[%dma_wait3A_83, %dma_wait3A_84] : memref<320000x128xf32, #tpu.memory_space<hbm>> -> memref<64x128xf32, #tpu.memory_space<hbm>>
    %dma_wait3A_86 = arith.constant 0 : i32
    %dma_wait3A_87 = tpu.memref_slice %arg4[%dma_wait3A_83, %dma_wait3A_86] : memref<320000x128xf32, #tpu.memory_space<hbm>> -> memref<64x128xf32, #tpu.memory_space<hbm>>
    tpu.wait_dma2 semaphore(%arg15 : memref<!tpu.dma_semaphore, #tpu.memory_space<semaphore_mem>>) src(%dma_wait3A_87 : memref<64x128xf32, #tpu.memory_space<hbm>>) dst(%arg10 : memref<64x128xf32, #tpu.memory_space<vmem>>)
    %mul3A_88 = arith.constant 3 : i32
    %mul3A_89 = arith.constant 64 : i32
    %mul3A_90 = arith.muli %mul3A_88, %mul3A_89 : i32
    %add3A_91 = arith.addi %mul3A_2, %mul3A_90 : i32
    %dma_start3A_92 = arith.constant 0 : i32
    %dma_start3A_93 = tpu.memref_slice %arg4[%add3A_91, %dma_start3A_92] : memref<320000x128xf32, #tpu.memory_space<hbm>> -> memref<64x128xf32, #tpu.memory_space<hbm>>
    %dma_start3A_94 = arith.constant 0 : i32
    %dma_start3A_95 = tpu.memref_slice %arg4[%add3A_91, %dma_start3A_94] : memref<320000x128xf32, #tpu.memory_space<hbm>> -> memref<64x128xf32, #tpu.memory_space<hbm>>
    tpu.enqueue_dma source(%arg10 : memref<64x128xf32, #tpu.memory_space<vmem>>) target(%dma_start3A_95 : memref<64x128xf32, #tpu.memory_space<hbm>>) target_semaphore(%arg15 : memref<!tpu.dma_semaphore, #tpu.memory_space<semaphore_mem>>)
    %dma_wait3A_96 = arith.constant 0 : i32
    %dma_wait3A_97 = arith.constant 0 : i32
    %dma_wait3A_98 = tpu.memref_slice %arg4[%dma_wait3A_96, %dma_wait3A_97] : memref<320000x128xf32, #tpu.memory_space<hbm>> -> memref<64x128xf32, #tpu.memory_space<hbm>>
    %dma_wait3A_99 = arith.constant 0 : i32
    %dma_wait3A_100 = tpu.memref_slice %arg4[%dma_wait3A_96, %dma_wait3A_99] : memref<320000x128xf32, #tpu.memory_space<hbm>> -> memref<64x128xf32, #tpu.memory_space<hbm>>
    tpu.wait_dma2 semaphore(%arg16 : memref<!tpu.dma_semaphore, #tpu.memory_space<semaphore_mem>>) src(%dma_wait3A_100 : memref<64x128xf32, #tpu.memory_space<hbm>>) dst(%arg11 : memref<64x128xf32, #tpu.memory_space<vmem>>)
    %mul3A_101 = arith.constant 4 : i32
    %mul3A_102 = arith.constant 64 : i32
    %mul3A_103 = arith.muli %mul3A_101, %mul3A_102 : i32
    %add3A_104 = arith.addi %mul3A_2, %mul3A_103 : i32
    %dma_start3A_105 = arith.constant 0 : i32
    %dma_start3A_106 = tpu.memref_slice %arg4[%add3A_104, %dma_start3A_105] : memref<320000x128xf32, #tpu.memory_space<hbm>> -> memref<64x128xf32, #tpu.memory_space<hbm>>
    %dma_start3A_107 = arith.constant 0 : i32
    %dma_start3A_108 = tpu.memref_slice %arg4[%add3A_104, %dma_start3A_107] : memref<320000x128xf32, #tpu.memory_space<hbm>> -> memref<64x128xf32, #tpu.memory_space<hbm>>
    tpu.enqueue_dma source(%arg11 : memref<64x128xf32, #tpu.memory_space<vmem>>) target(%dma_start3A_108 : memref<64x128xf32, #tpu.memory_space<hbm>>) target_semaphore(%arg16 : memref<!tpu.dma_semaphore, #tpu.memory_space<semaphore_mem>>)
    %while3A = arith.constant 1 : i32
    %while3A_109 = arith.constant 31 : i32
    %while3A_110 = arith.subi %while3A_109, %while3A : i32
    %while3A_111 = arith.addi %while3A, %while3A_110 : i32
    %while3A_112 = arith.constant 1 : i32
    %while3A_113 = arith.divsi %while3A_110, %while3A_112 : i32
    %while3A_114 = arith.muli %while3A_113, %while3A_112 : i32
    %while3A_115 = arith.addi %while3A, %while3A_114 : i32
    %while3A_116 = arith.constant 1 : i32
    scf.for %while3A_206 = %while3A to %while3A_115 step %while3A_116  : i32 {
      %mul3A_207 = arith.constant 5 : i32
      %mul3A_208 = arith.muli %while3A_206, %mul3A_207 : i32
      %add3A_209 = arith.constant 0 : i32
      %add3A_210 = arith.addi %mul3A_208, %add3A_209 : i32
      %dma_wait3A_211 = arith.constant 0 : i32
      %dma_wait3A_212 = arith.constant 0 : i32
      %dma_wait3A_213 = tpu.memref_slice %arg4[%dma_wait3A_211, %dma_wait3A_212] : memref<320000x128xf32, #tpu.memory_space<hbm>> -> memref<64x128xf32, #tpu.memory_space<hbm>>
      %dma_wait3A_214 = arith.constant 0 : i32
      %dma_wait3A_215 = tpu.memref_slice %arg4[%dma_wait3A_211, %dma_wait3A_214] : memref<320000x128xf32, #tpu.memory_space<hbm>> -> memref<64x128xf32, #tpu.memory_space<hbm>>
      tpu.wait_dma2 semaphore(%arg12 : memref<!tpu.dma_semaphore, #tpu.memory_space<semaphore_mem>>) src(%dma_wait3A_215 : memref<64x128xf32, #tpu.memory_space<hbm>>) dst(%arg7 : memref<64x128xf32, #tpu.memory_space<vmem>>)
      %mul3A_216 = arith.constant 64 : i32
      %mul3A_217 = arith.muli %add3A_210, %mul3A_216 : i32
      %dma_start3A_218 = tpu.memref_slice %arg6[%mul3A_217] : memref<10000xi32, #tpu.memory_space<vmem>> -> memref<64xi32, #tpu.memory_space<vmem>>
      %dma_start3A_219 = arith.constant 0 : i32
      %dma_start3A_220 = arith.constant 0 : i32
      %dma_start3A_221 = tpu.memref_slice %arg5[%dma_start3A_219, %dma_start3A_220] : memref<10000x128xf32, #tpu.memory_space<vmem_shared>> -> memref<10000x128xf32, #tpu.memory_space<vmem_shared>>
      tpu.enqueue_indirect_dma source(%dma_start3A_221 : memref<10000x128xf32, #tpu.memory_space<vmem_shared>>) target(%arg7 : memref<64x128xf32, #tpu.memory_space<vmem>>) offsets(%dma_start3A_218 : memref<64xi32, #tpu.memory_space<vmem>>) semaphore(%arg12 : memref<!tpu.dma_semaphore, #tpu.memory_space<semaphore_mem>>)
      %mul3A_222 = arith.constant 5 : i32
      %mul3A_223 = arith.muli %while3A_206, %mul3A_222 : i32
      %add3A_224 = arith.constant 1 : i32
      %add3A_225 = arith.addi %mul3A_223, %add3A_224 : i32
      %dma_wait3A_226 = arith.constant 0 : i32
      %dma_wait3A_227 = arith.constant 0 : i32
      %dma_wait3A_228 = tpu.memref_slice %arg4[%dma_wait3A_226, %dma_wait3A_227] : memref<320000x128xf32, #tpu.memory_space<hbm>> -> memref<64x128xf32, #tpu.memory_space<hbm>>
      %dma_wait3A_229 = arith.constant 0 : i32
      %dma_wait3A_230 = tpu.memref_slice %arg4[%dma_wait3A_226, %dma_wait3A_229] : memref<320000x128xf32, #tpu.memory_space<hbm>> -> memref<64x128xf32, #tpu.memory_space<hbm>>
      tpu.wait_dma2 semaphore(%arg13 : memref<!tpu.dma_semaphore, #tpu.memory_space<semaphore_mem>>) src(%dma_wait3A_230 : memref<64x128xf32, #tpu.memory_space<hbm>>) dst(%arg8 : memref<64x128xf32, #tpu.memory_space<vmem>>)
      %mul3A_231 = arith.constant 64 : i32
      %mul3A_232 = arith.muli %add3A_225, %mul3A_231 : i32
      %dma_start3A_233 = tpu.memref_slice %arg6[%mul3A_232] : memref<10000xi32, #tpu.memory_space<vmem>> -> memref<64xi32, #tpu.memory_space<vmem>>
      %dma_start3A_234 = arith.constant 0 : i32
      %dma_start3A_235 = arith.constant 0 : i32
      %dma_start3A_236 = tpu.memref_slice %arg5[%dma_start3A_234, %dma_start3A_235] : memref<10000x128xf32, #tpu.memory_space<vmem_shared>> -> memref<10000x128xf32, #tpu.memory_space<vmem_shared>>
      tpu.enqueue_indirect_dma source(%dma_start3A_236 : memref<10000x128xf32, #tpu.memory_space<vmem_shared>>) target(%arg8 : memref<64x128xf32, #tpu.memory_space<vmem>>) offsets(%dma_start3A_233 : memref<64xi32, #tpu.memory_space<vmem>>) semaphore(%arg13 : memref<!tpu.dma_semaphore, #tpu.memory_space<semaphore_mem>>)
      %mul3A_237 = arith.constant 5 : i32
      %mul3A_238 = arith.muli %while3A_206, %mul3A_237 : i32
      %add3A_239 = arith.constant 2 : i32
      %add3A_240 = arith.addi %mul3A_238, %add3A_239 : i32
      %dma_wait3A_241 = arith.constant 0 : i32
      %dma_wait3A_242 = arith.constant 0 : i32
      %dma_wait3A_243 = tpu.memref_slice %arg4[%dma_wait3A_241, %dma_wait3A_242] : memref<320000x128xf32, #tpu.memory_space<hbm>> -> memref<64x128xf32, #tpu.memory_space<hbm>>
      %dma_wait3A_244 = arith.constant 0 : i32
      %dma_wait3A_245 = tpu.memref_slice %arg4[%dma_wait3A_241, %dma_wait3A_244] : memref<320000x128xf32, #tpu.memory_space<hbm>> -> memref<64x128xf32, #tpu.memory_space<hbm>>
      tpu.wait_dma2 semaphore(%arg14 : memref<!tpu.dma_semaphore, #tpu.memory_space<semaphore_mem>>) src(%dma_wait3A_245 : memref<64x128xf32, #tpu.memory_space<hbm>>) dst(%arg9 : memref<64x128xf32, #tpu.memory_space<vmem>>)
      %mul3A_246 = arith.constant 64 : i32
      %mul3A_247 = arith.muli %add3A_240, %mul3A_246 : i32
      %dma_start3A_248 = tpu.memref_slice %arg6[%mul3A_247] : memref<10000xi32, #tpu.memory_space<vmem>> -> memref<64xi32, #tpu.memory_space<vmem>>
      %dma_start3A_249 = arith.constant 0 : i32
      %dma_start3A_250 = arith.constant 0 : i32
      %dma_start3A_251 = tpu.memref_slice %arg5[%dma_start3A_249, %dma_start3A_250] : memref<10000x128xf32, #tpu.memory_space<vmem_shared>> -> memref<10000x128xf32, #tpu.memory_space<vmem_shared>>
      tpu.enqueue_indirect_dma source(%dma_start3A_251 : memref<10000x128xf32, #tpu.memory_space<vmem_shared>>) target(%arg9 : memref<64x128xf32, #tpu.memory_space<vmem>>) offsets(%dma_start3A_248 : memref<64xi32, #tpu.memory_space<vmem>>) semaphore(%arg14 : memref<!tpu.dma_semaphore, #tpu.memory_space<semaphore_mem>>)
      %mul3A_252 = arith.constant 5 : i32
      %mul3A_253 = arith.muli %while3A_206, %mul3A_252 : i32
      %add3A_254 = arith.constant 3 : i32
      %add3A_255 = arith.addi %mul3A_253, %add3A_254 : i32
      %dma_wait3A_256 = arith.constant 0 : i32
      %dma_wait3A_257 = arith.constant 0 : i32
      %dma_wait3A_258 = tpu.memref_slice %arg4[%dma_wait3A_256, %dma_wait3A_257] : memref<320000x128xf32, #tpu.memory_space<hbm>> -> memref<64x128xf32, #tpu.memory_space<hbm>>
      %dma_wait3A_259 = arith.constant 0 : i32
      %dma_wait3A_260 = tpu.memref_slice %arg4[%dma_wait3A_256, %dma_wait3A_259] : memref<320000x128xf32, #tpu.memory_space<hbm>> -> memref<64x128xf32, #tpu.memory_space<hbm>>
      tpu.wait_dma2 semaphore(%arg15 : memref<!tpu.dma_semaphore, #tpu.memory_space<semaphore_mem>>) src(%dma_wait3A_260 : memref<64x128xf32, #tpu.memory_space<hbm>>) dst(%arg10 : memref<64x128xf32, #tpu.memory_space<vmem>>)
      %mul3A_261 = arith.constant 64 : i32
      %mul3A_262 = arith.muli %add3A_255, %mul3A_261 : i32
      %dma_start3A_263 = tpu.memref_slice %arg6[%mul3A_262] : memref<10000xi32, #tpu.memory_space<vmem>> -> memref<64xi32, #tpu.memory_space<vmem>>
      %dma_start3A_264 = arith.constant 0 : i32
      %dma_start3A_265 = arith.constant 0 : i32
      %dma_start3A_266 = tpu.memref_slice %arg5[%dma_start3A_264, %dma_start3A_265] : memref<10000x128xf32, #tpu.memory_space<vmem_shared>> -> memref<10000x128xf32, #tpu.memory_space<vmem_shared>>
      tpu.enqueue_indirect_dma source(%dma_start3A_266 : memref<10000x128xf32, #tpu.memory_space<vmem_shared>>) target(%arg10 : memref<64x128xf32, #tpu.memory_space<vmem>>) offsets(%dma_start3A_263 : memref<64xi32, #tpu.memory_space<vmem>>) semaphore(%arg15 : memref<!tpu.dma_semaphore, #tpu.memory_space<semaphore_mem>>)
      %mul3A_267 = arith.constant 5 : i32
      %mul3A_268 = arith.muli %while3A_206, %mul3A_267 : i32
      %add3A_269 = arith.constant 4 : i32
      %add3A_270 = arith.addi %mul3A_268, %add3A_269 : i32
      %dma_wait3A_271 = arith.constant 0 : i32
      %dma_wait3A_272 = arith.constant 0 : i32
      %dma_wait3A_273 = tpu.memref_slice %arg4[%dma_wait3A_271, %dma_wait3A_272] : memref<320000x128xf32, #tpu.memory_space<hbm>> -> memref<64x128xf32, #tpu.memory_space<hbm>>
      %dma_wait3A_274 = arith.constant 0 : i32
      %dma_wait3A_275 = tpu.memref_slice %arg4[%dma_wait3A_271, %dma_wait3A_274] : memref<320000x128xf32, #tpu.memory_space<hbm>> -> memref<64x128xf32, #tpu.memory_space<hbm>>
      tpu.wait_dma2 semaphore(%arg16 : memref<!tpu.dma_semaphore, #tpu.memory_space<semaphore_mem>>) src(%dma_wait3A_275 : memref<64x128xf32, #tpu.memory_space<hbm>>) dst(%arg11 : memref<64x128xf32, #tpu.memory_space<vmem>>)
      %mul3A_276 = arith.constant 64 : i32
      %mul3A_277 = arith.muli %add3A_270, %mul3A_276 : i32
      %dma_start3A_278 = tpu.memref_slice %arg6[%mul3A_277] : memref<10000xi32, #tpu.memory_space<vmem>> -> memref<64xi32, #tpu.memory_space<vmem>>
      %dma_start3A_279 = arith.constant 0 : i32
      %dma_start3A_280 = arith.constant 0 : i32
      %dma_start3A_281 = tpu.memref_slice %arg5[%dma_start3A_279, %dma_start3A_280] : memref<10000x128xf32, #tpu.memory_space<vmem_shared>> -> memref<10000x128xf32, #tpu.memory_space<vmem_shared>>
      tpu.enqueue_indirect_dma source(%dma_start3A_281 : memref<10000x128xf32, #tpu.memory_space<vmem_shared>>) target(%arg11 : memref<64x128xf32, #tpu.memory_space<vmem>>) offsets(%dma_start3A_278 : memref<64xi32, #tpu.memory_space<vmem>>) semaphore(%arg16 : memref<!tpu.dma_semaphore, #tpu.memory_space<semaphore_mem>>)
      %mul3A_282 = arith.constant 5 : i32
      %mul3A_283 = arith.muli %while3A_206, %mul3A_282 : i32
      %add3A_284 = arith.constant 0 : i32
      %add3A_285 = arith.addi %mul3A_283, %add3A_284 : i32
      %dma_wait3A_286 = arith.constant 0 : i32
      %dma_wait3A_287 = arith.constant 0 : i32
      %dma_wait3A_288 = tpu.memref_slice %arg4[%dma_wait3A_286, %dma_wait3A_287] : memref<320000x128xf32, #tpu.memory_space<hbm>> -> memref<64x128xf32, #tpu.memory_space<hbm>>
      %dma_wait3A_289 = arith.constant 0 : i32
      %dma_wait3A_290 = tpu.memref_slice %arg4[%dma_wait3A_286, %dma_wait3A_289] : memref<320000x128xf32, #tpu.memory_space<hbm>> -> memref<64x128xf32, #tpu.memory_space<hbm>>
      tpu.wait_dma2 semaphore(%arg12 : memref<!tpu.dma_semaphore, #tpu.memory_space<semaphore_mem>>) src(%dma_wait3A_290 : memref<64x128xf32, #tpu.memory_space<hbm>>) dst(%arg7 : memref<64x128xf32, #tpu.memory_space<vmem>>)
      %mul3A_291 = arith.constant 64 : i32
      %mul3A_292 = arith.muli %add3A_285, %mul3A_291 : i32
      %add3A_293 = arith.addi %mul3A_2, %mul3A_292 : i32
      %dma_start3A_294 = arith.constant 0 : i32
      %dma_start3A_295 = tpu.memref_slice %arg4[%add3A_293, %dma_start3A_294] : memref<320000x128xf32, #tpu.memory_space<hbm>> -> memref<64x128xf32, #tpu.memory_space<hbm>>
      %dma_start3A_296 = arith.constant 0 : i32
      %dma_start3A_297 = tpu.memref_slice %arg4[%add3A_293, %dma_start3A_296] : memref<320000x128xf32, #tpu.memory_space<hbm>> -> memref<64x128xf32, #tpu.memory_space<hbm>>
      tpu.enqueue_dma source(%arg7 : memref<64x128xf32, #tpu.memory_space<vmem>>) target(%dma_start3A_297 : memref<64x128xf32, #tpu.memory_space<hbm>>) target_semaphore(%arg12 : memref<!tpu.dma_semaphore, #tpu.memory_space<semaphore_mem>>)
      %mul3A_298 = arith.constant 5 : i32
      %mul3A_299 = arith.muli %while3A_206, %mul3A_298 : i32
      %add3A_300 = arith.constant 1 : i32
      %add3A_301 = arith.addi %mul3A_299, %add3A_300 : i32
      %dma_wait3A_302 = arith.constant 0 : i32
      %dma_wait3A_303 = arith.constant 0 : i32
      %dma_wait3A_304 = tpu.memref_slice %arg4[%dma_wait3A_302, %dma_wait3A_303] : memref<320000x128xf32, #tpu.memory_space<hbm>> -> memref<64x128xf32, #tpu.memory_space<hbm>>
      %dma_wait3A_305 = arith.constant 0 : i32
      %dma_wait3A_306 = tpu.memref_slice %arg4[%dma_wait3A_302, %dma_wait3A_305] : memref<320000x128xf32, #tpu.memory_space<hbm>> -> memref<64x128xf32, #tpu.memory_space<hbm>>
      tpu.wait_dma2 semaphore(%arg13 : memref<!tpu.dma_semaphore, #tpu.memory_space<semaphore_mem>>) src(%dma_wait3A_306 : memref<64x128xf32, #tpu.memory_space<hbm>>) dst(%arg8 : memref<64x128xf32, #tpu.memory_space<vmem>>)
      %mul3A_307 = arith.constant 64 : i32
      %mul3A_308 = arith.muli %add3A_301, %mul3A_307 : i32
      %add3A_309 = arith.addi %mul3A_2, %mul3A_308 : i32
      %dma_start3A_310 = arith.constant 0 : i32
      %dma_start3A_311 = tpu.memref_slice %arg4[%add3A_309, %dma_start3A_310] : memref<320000x128xf32, #tpu.memory_space<hbm>> -> memref<64x128xf32, #tpu.memory_space<hbm>>
      %dma_start3A_312 = arith.constant 0 : i32
      %dma_start3A_313 = tpu.memref_slice %arg4[%add3A_309, %dma_start3A_312] : memref<320000x128xf32, #tpu.memory_space<hbm>> -> memref<64x128xf32, #tpu.memory_space<hbm>>
      tpu.enqueue_dma source(%arg8 : memref<64x128xf32, #tpu.memory_space<vmem>>) target(%dma_start3A_313 : memref<64x128xf32, #tpu.memory_space<hbm>>) target_semaphore(%arg13 : memref<!tpu.dma_semaphore, #tpu.memory_space<semaphore_mem>>)
      %mul3A_314 = arith.constant 5 : i32
      %mul3A_315 = arith.muli %while3A_206, %mul3A_314 : i32
      %add3A_316 = arith.constant 2 : i32
      %add3A_317 = arith.addi %mul3A_315, %add3A_316 : i32
      %dma_wait3A_318 = arith.constant 0 : i32
      %dma_wait3A_319 = arith.constant 0 : i32
      %dma_wait3A_320 = tpu.memref_slice %arg4[%dma_wait3A_318, %dma_wait3A_319] : memref<320000x128xf32, #tpu.memory_space<hbm>> -> memref<64x128xf32, #tpu.memory_space<hbm>>
      %dma_wait3A_321 = arith.constant 0 : i32
      %dma_wait3A_322 = tpu.memref_slice %arg4[%dma_wait3A_318, %dma_wait3A_321] : memref<320000x128xf32, #tpu.memory_space<hbm>> -> memref<64x128xf32, #tpu.memory_space<hbm>>
      tpu.wait_dma2 semaphore(%arg14 : memref<!tpu.dma_semaphore, #tpu.memory_space<semaphore_mem>>) src(%dma_wait3A_322 : memref<64x128xf32, #tpu.memory_space<hbm>>) dst(%arg9 : memref<64x128xf32, #tpu.memory_space<vmem>>)
      %mul3A_323 = arith.constant 64 : i32
      %mul3A_324 = arith.muli %add3A_317, %mul3A_323 : i32
      %add3A_325 = arith.addi %mul3A_2, %mul3A_324 : i32
      %dma_start3A_326 = arith.constant 0 : i32
      %dma_start3A_327 = tpu.memref_slice %arg4[%add3A_325, %dma_start3A_326] : memref<320000x128xf32, #tpu.memory_space<hbm>> -> memref<64x128xf32, #tpu.memory_space<hbm>>
      %dma_start3A_328 = arith.constant 0 : i32
      %dma_start3A_329 = tpu.memref_slice %arg4[%add3A_325, %dma_start3A_328] : memref<320000x128xf32, #tpu.memory_space<hbm>> -> memref<64x128xf32, #tpu.memory_space<hbm>>
      tpu.enqueue_dma source(%arg9 : memref<64x128xf32, #tpu.memory_space<vmem>>) target(%dma_start3A_329 : memref<64x128xf32, #tpu.memory_space<hbm>>) target_semaphore(%arg14 : memref<!tpu.dma_semaphore, #tpu.memory_space<semaphore_mem>>)
      %mul3A_330 = arith.constant 5 : i32
      %mul3A_331 = arith.muli %while3A_206, %mul3A_330 : i32
      %add3A_332 = arith.constant 3 : i32
      %add3A_333 = arith.addi %mul3A_331, %add3A_332 : i32
      %dma_wait3A_334 = arith.constant 0 : i32
      %dma_wait3A_335 = arith.constant 0 : i32
      %dma_wait3A_336 = tpu.memref_slice %arg4[%dma_wait3A_334, %dma_wait3A_335] : memref<320000x128xf32, #tpu.memory_space<hbm>> -> memref<64x128xf32, #tpu.memory_space<hbm>>
      %dma_wait3A_337 = arith.constant 0 : i32
      %dma_wait3A_338 = tpu.memref_slice %arg4[%dma_wait3A_334, %dma_wait3A_337] : memref<320000x128xf32, #tpu.memory_space<hbm>> -> memref<64x128xf32, #tpu.memory_space<hbm>>
      tpu.wait_dma2 semaphore(%arg15 : memref<!tpu.dma_semaphore, #tpu.memory_space<semaphore_mem>>) src(%dma_wait3A_338 : memref<64x128xf32, #tpu.memory_space<hbm>>) dst(%arg10 : memref<64x128xf32, #tpu.memory_space<vmem>>)
      %mul3A_339 = arith.constant 64 : i32
      %mul3A_340 = arith.muli %add3A_333, %mul3A_339 : i32
      %add3A_341 = arith.addi %mul3A_2, %mul3A_340 : i32
      %dma_start3A_342 = arith.constant 0 : i32
      %dma_start3A_343 = tpu.memref_slice %arg4[%add3A_341, %dma_start3A_342] : memref<320000x128xf32, #tpu.memory_space<hbm>> -> memref<64x128xf32, #tpu.memory_space<hbm>>
      %dma_start3A_344 = arith.constant 0 : i32
      %dma_start3A_345 = tpu.memref_slice %arg4[%add3A_341, %dma_start3A_344] : memref<320000x128xf32, #tpu.memory_space<hbm>> -> memref<64x128xf32, #tpu.memory_space<hbm>>
      tpu.enqueue_dma source(%arg10 : memref<64x128xf32, #tpu.memory_space<vmem>>) target(%dma_start3A_345 : memref<64x128xf32, #tpu.memory_space<hbm>>) target_semaphore(%arg15 : memref<!tpu.dma_semaphore, #tpu.memory_space<semaphore_mem>>)
      %mul3A_346 = arith.constant 5 : i32
      %mul3A_347 = arith.muli %while3A_206, %mul3A_346 : i32
      %add3A_348 = arith.constant 4 : i32
      %add3A_349 = arith.addi %mul3A_347, %add3A_348 : i32
      %dma_wait3A_350 = arith.constant 0 : i32
      %dma_wait3A_351 = arith.constant 0 : i32
      %dma_wait3A_352 = tpu.memref_slice %arg4[%dma_wait3A_350, %dma_wait3A_351] : memref<320000x128xf32, #tpu.memory_space<hbm>> -> memref<64x128xf32, #tpu.memory_space<hbm>>
      %dma_wait3A_353 = arith.constant 0 : i32
      %dma_wait3A_354 = tpu.memref_slice %arg4[%dma_wait3A_350, %dma_wait3A_353] : memref<320000x128xf32, #tpu.memory_space<hbm>> -> memref<64x128xf32, #tpu.memory_space<hbm>>
      tpu.wait_dma2 semaphore(%arg16 : memref<!tpu.dma_semaphore, #tpu.memory_space<semaphore_mem>>) src(%dma_wait3A_354 : memref<64x128xf32, #tpu.memory_space<hbm>>) dst(%arg11 : memref<64x128xf32, #tpu.memory_space<vmem>>)
      %mul3A_355 = arith.constant 64 : i32
      %mul3A_356 = arith.muli %add3A_349, %mul3A_355 : i32
      %add3A_357 = arith.addi %mul3A_2, %mul3A_356 : i32
      %dma_start3A_358 = arith.constant 0 : i32
      %dma_start3A_359 = tpu.memref_slice %arg4[%add3A_357, %dma_start3A_358] : memref<320000x128xf32, #tpu.memory_space<hbm>> -> memref<64x128xf32, #tpu.memory_space<hbm>>
      %dma_start3A_360 = arith.constant 0 : i32
      %dma_start3A_361 = tpu.memref_slice %arg4[%add3A_357, %dma_start3A_360] : memref<320000x128xf32, #tpu.memory_space<hbm>> -> memref<64x128xf32, #tpu.memory_space<hbm>>
      tpu.enqueue_dma source(%arg11 : memref<64x128xf32, #tpu.memory_space<vmem>>) target(%dma_start3A_361 : memref<64x128xf32, #tpu.memory_space<hbm>>) target_semaphore(%arg16 : memref<!tpu.dma_semaphore, #tpu.memory_space<semaphore_mem>>)
    }
    %while3A_117 = arith.constant 1 : i32
    scf.for %while3A_206 = %while3A_115 to %while3A_111 step %while3A_117  : i32 {
      %mul3A_207 = arith.constant 5 : i32
      %mul3A_208 = arith.muli %while3A_206, %mul3A_207 : i32
      %add3A_209 = arith.constant 0 : i32
      %add3A_210 = arith.addi %mul3A_208, %add3A_209 : i32
      %dma_wait3A_211 = arith.constant 0 : i32
      %dma_wait3A_212 = arith.constant 0 : i32
      %dma_wait3A_213 = tpu.memref_slice %arg4[%dma_wait3A_211, %dma_wait3A_212] : memref<320000x128xf32, #tpu.memory_space<hbm>> -> memref<64x128xf32, #tpu.memory_space<hbm>>
      %dma_wait3A_214 = arith.constant 0 : i32
      %dma_wait3A_215 = tpu.memref_slice %arg4[%dma_wait3A_211, %dma_wait3A_214] : memref<320000x128xf32, #tpu.memory_space<hbm>> -> memref<64x128xf32, #tpu.memory_space<hbm>>
      tpu.wait_dma2 semaphore(%arg12 : memref<!tpu.dma_semaphore, #tpu.memory_space<semaphore_mem>>) src(%dma_wait3A_215 : memref<64x128xf32, #tpu.memory_space<hbm>>) dst(%arg7 : memref<64x128xf32, #tpu.memory_space<vmem>>)
      %mul3A_216 = arith.constant 64 : i32
      %mul3A_217 = arith.muli %add3A_210, %mul3A_216 : i32
      %dma_start3A_218 = tpu.memref_slice %arg6[%mul3A_217] : memref<10000xi32, #tpu.memory_space<vmem>> -> memref<64xi32, #tpu.memory_space<vmem>>
      %dma_start3A_219 = arith.constant 0 : i32
      %dma_start3A_220 = arith.constant 0 : i32
      %dma_start3A_221 = tpu.memref_slice %arg5[%dma_start3A_219, %dma_start3A_220] : memref<10000x128xf32, #tpu.memory_space<vmem_shared>> -> memref<10000x128xf32, #tpu.memory_space<vmem_shared>>
      tpu.enqueue_indirect_dma source(%dma_start3A_221 : memref<10000x128xf32, #tpu.memory_space<vmem_shared>>) target(%arg7 : memref<64x128xf32, #tpu.memory_space<vmem>>) offsets(%dma_start3A_218 : memref<64xi32, #tpu.memory_space<vmem>>) semaphore(%arg12 : memref<!tpu.dma_semaphore, #tpu.memory_space<semaphore_mem>>)
      %mul3A_222 = arith.constant 5 : i32
      %mul3A_223 = arith.muli %while3A_206, %mul3A_222 : i32
      %add3A_224 = arith.constant 1 : i32
      %add3A_225 = arith.addi %mul3A_223, %add3A_224 : i32
      %dma_wait3A_226 = arith.constant 0 : i32
      %dma_wait3A_227 = arith.constant 0 : i32
      %dma_wait3A_228 = tpu.memref_slice %arg4[%dma_wait3A_226, %dma_wait3A_227] : memref<320000x128xf32, #tpu.memory_space<hbm>> -> memref<64x128xf32, #tpu.memory_space<hbm>>
      %dma_wait3A_229 = arith.constant 0 : i32
      %dma_wait3A_230 = tpu.memref_slice %arg4[%dma_wait3A_226, %dma_wait3A_229] : memref<320000x128xf32, #tpu.memory_space<hbm>> -> memref<64x128xf32, #tpu.memory_space<hbm>>
      tpu.wait_dma2 semaphore(%arg13 : memref<!tpu.dma_semaphore, #tpu.memory_space<semaphore_mem>>) src(%dma_wait3A_230 : memref<64x128xf32, #tpu.memory_space<hbm>>) dst(%arg8 : memref<64x128xf32, #tpu.memory_space<vmem>>)
      %mul3A_231 = arith.constant 64 : i32
      %mul3A_232 = arith.muli %add3A_225, %mul3A_231 : i32
      %dma_start3A_233 = tpu.memref_slice %arg6[%mul3A_232] : memref<10000xi32, #tpu.memory_space<vmem>> -> memref<64xi32, #tpu.memory_space<vmem>>
      %dma_start3A_234 = arith.constant 0 : i32
      %dma_start3A_235 = arith.constant 0 : i32
      %dma_start3A_236 = tpu.memref_slice %arg5[%dma_start3A_234, %dma_start3A_235] : memref<10000x128xf32, #tpu.memory_space<vmem_shared>> -> memref<10000x128xf32, #tpu.memory_space<vmem_shared>>
      tpu.enqueue_indirect_dma source(%dma_start3A_236 : memref<10000x128xf32, #tpu.memory_space<vmem_shared>>) target(%arg8 : memref<64x128xf32, #tpu.memory_space<vmem>>) offsets(%dma_start3A_233 : memref<64xi32, #tpu.memory_space<vmem>>) semaphore(%arg13 : memref<!tpu.dma_semaphore, #tpu.memory_space<semaphore_mem>>)
      %mul3A_237 = arith.constant 5 : i32
      %mul3A_238 = arith.muli %while3A_206, %mul3A_237 : i32
      %add3A_239 = arith.constant 2 : i32
      %add3A_240 = arith.addi %mul3A_238, %add3A_239 : i32
      %dma_wait3A_241 = arith.constant 0 : i32
      %dma_wait3A_242 = arith.constant 0 : i32
      %dma_wait3A_243 = tpu.memref_slice %arg4[%dma_wait3A_241, %dma_wait3A_242] : memref<320000x128xf32, #tpu.memory_space<hbm>> -> memref<64x128xf32, #tpu.memory_space<hbm>>
      %dma_wait3A_244 = arith.constant 0 : i32
      %dma_wait3A_245 = tpu.memref_slice %arg4[%dma_wait3A_241, %dma_wait3A_244] : memref<320000x128xf32, #tpu.memory_space<hbm>> -> memref<64x128xf32, #tpu.memory_space<hbm>>
      tpu.wait_dma2 semaphore(%arg14 : memref<!tpu.dma_semaphore, #tpu.memory_space<semaphore_mem>>) src(%dma_wait3A_245 : memref<64x128xf32, #tpu.memory_space<hbm>>) dst(%arg9 : memref<64x128xf32, #tpu.memory_space<vmem>>)
      %mul3A_246 = arith.constant 64 : i32
      %mul3A_247 = arith.muli %add3A_240, %mul3A_246 : i32
      %dma_start3A_248 = tpu.memref_slice %arg6[%mul3A_247] : memref<10000xi32, #tpu.memory_space<vmem>> -> memref<64xi32, #tpu.memory_space<vmem>>
      %dma_start3A_249 = arith.constant 0 : i32
      %dma_start3A_250 = arith.constant 0 : i32
      %dma_start3A_251 = tpu.memref_slice %arg5[%dma_start3A_249, %dma_start3A_250] : memref<10000x128xf32, #tpu.memory_space<vmem_shared>> -> memref<10000x128xf32, #tpu.memory_space<vmem_shared>>
      tpu.enqueue_indirect_dma source(%dma_start3A_251 : memref<10000x128xf32, #tpu.memory_space<vmem_shared>>) target(%arg9 : memref<64x128xf32, #tpu.memory_space<vmem>>) offsets(%dma_start3A_248 : memref<64xi32, #tpu.memory_space<vmem>>) semaphore(%arg14 : memref<!tpu.dma_semaphore, #tpu.memory_space<semaphore_mem>>)
      %mul3A_252 = arith.constant 5 : i32
      %mul3A_253 = arith.muli %while3A_206, %mul3A_252 : i32
      %add3A_254 = arith.constant 3 : i32
      %add3A_255 = arith.addi %mul3A_253, %add3A_254 : i32
      %dma_wait3A_256 = arith.constant 0 : i32
      %dma_wait3A_257 = arith.constant 0 : i32
      %dma_wait3A_258 = tpu.memref_slice %arg4[%dma_wait3A_256, %dma_wait3A_257] : memref<320000x128xf32, #tpu.memory_space<hbm>> -> memref<64x128xf32, #tpu.memory_space<hbm>>
      %dma_wait3A_259 = arith.constant 0 : i32
      %dma_wait3A_260 = tpu.memref_slice %arg4[%dma_wait3A_256, %dma_wait3A_259] : memref<320000x128xf32, #tpu.memory_space<hbm>> -> memref<64x128xf32, #tpu.memory_space<hbm>>
      tpu.wait_dma2 semaphore(%arg15 : memref<!tpu.dma_semaphore, #tpu.memory_space<semaphore_mem>>) src(%dma_wait3A_260 : memref<64x128xf32, #tpu.memory_space<hbm>>) dst(%arg10 : memref<64x128xf32, #tpu.memory_space<vmem>>)
      %mul3A_261 = arith.constant 64 : i32
      %mul3A_262 = arith.muli %add3A_255, %mul3A_261 : i32
      %dma_start3A_263 = tpu.memref_slice %arg6[%mul3A_262] : memref<10000xi32, #tpu.memory_space<vmem>> -> memref<64xi32, #tpu.memory_space<vmem>>
      %dma_start3A_264 = arith.constant 0 : i32
      %dma_start3A_265 = arith.constant 0 : i32
      %dma_start3A_266 = tpu.memref_slice %arg5[%dma_start3A_264, %dma_start3A_265] : memref<10000x128xf32, #tpu.memory_space<vmem_shared>> -> memref<10000x128xf32, #tpu.memory_space<vmem_shared>>
      tpu.enqueue_indirect_dma source(%dma_start3A_266 : memref<10000x128xf32, #tpu.memory_space<vmem_shared>>) target(%arg10 : memref<64x128xf32, #tpu.memory_space<vmem>>) offsets(%dma_start3A_263 : memref<64xi32, #tpu.memory_space<vmem>>) semaphore(%arg15 : memref<!tpu.dma_semaphore, #tpu.memory_space<semaphore_mem>>)
      %mul3A_267 = arith.constant 5 : i32
      %mul3A_268 = arith.muli %while3A_206, %mul3A_267 : i32
      %add3A_269 = arith.constant 4 : i32
      %add3A_270 = arith.addi %mul3A_268, %add3A_269 : i32
      %dma_wait3A_271 = arith.constant 0 : i32
      %dma_wait3A_272 = arith.constant 0 : i32
      %dma_wait3A_273 = tpu.memref_slice %arg4[%dma_wait3A_271, %dma_wait3A_272] : memref<320000x128xf32, #tpu.memory_space<hbm>> -> memref<64x128xf32, #tpu.memory_space<hbm>>
      %dma_wait3A_274 = arith.constant 0 : i32
      %dma_wait3A_275 = tpu.memref_slice %arg4[%dma_wait3A_271, %dma_wait3A_274] : memref<320000x128xf32, #tpu.memory_space<hbm>> -> memref<64x128xf32, #tpu.memory_space<hbm>>
      tpu.wait_dma2 semaphore(%arg16 : memref<!tpu.dma_semaphore, #tpu.memory_space<semaphore_mem>>) src(%dma_wait3A_275 : memref<64x128xf32, #tpu.memory_space<hbm>>) dst(%arg11 : memref<64x128xf32, #tpu.memory_space<vmem>>)
      %mul3A_276 = arith.constant 64 : i32
      %mul3A_277 = arith.muli %add3A_270, %mul3A_276 : i32
      %dma_start3A_278 = tpu.memref_slice %arg6[%mul3A_277] : memref<10000xi32, #tpu.memory_space<vmem>> -> memref<64xi32, #tpu.memory_space<vmem>>
      %dma_start3A_279 = arith.constant 0 : i32
      %dma_start3A_280 = arith.constant 0 : i32
      %dma_start3A_281 = tpu.memref_slice %arg5[%dma_start3A_279, %dma_start3A_280] : memref<10000x128xf32, #tpu.memory_space<vmem_shared>> -> memref<10000x128xf32, #tpu.memory_space<vmem_shared>>
      tpu.enqueue_indirect_dma source(%dma_start3A_281 : memref<10000x128xf32, #tpu.memory_space<vmem_shared>>) target(%arg11 : memref<64x128xf32, #tpu.memory_space<vmem>>) offsets(%dma_start3A_278 : memref<64xi32, #tpu.memory_space<vmem>>) semaphore(%arg16 : memref<!tpu.dma_semaphore, #tpu.memory_space<semaphore_mem>>)
      %mul3A_282 = arith.constant 5 : i32
      %mul3A_283 = arith.muli %while3A_206, %mul3A_282 : i32
      %add3A_284 = arith.constant 0 : i32
      %add3A_285 = arith.addi %mul3A_283, %add3A_284 : i32
      %dma_wait3A_286 = arith.constant 0 : i32
      %dma_wait3A_287 = arith.constant 0 : i32
      %dma_wait3A_288 = tpu.memref_slice %arg4[%dma_wait3A_286, %dma_wait3A_287] : memref<320000x128xf32, #tpu.memory_space<hbm>> -> memref<64x128xf32, #tpu.memory_space<hbm>>
      %dma_wait3A_289 = arith.constant 0 : i32
      %dma_wait3A_290 = tpu.memref_slice %arg4[%dma_wait3A_286, %dma_wait3A_289] : memref<320000x128xf32, #tpu.memory_space<hbm>> -> memref<64x128xf32, #tpu.memory_space<hbm>>
      tpu.wait_dma2 semaphore(%arg12 : memref<!tpu.dma_semaphore, #tpu.memory_space<semaphore_mem>>) src(%dma_wait3A_290 : memref<64x128xf32, #tpu.memory_space<hbm>>) dst(%arg7 : memref<64x128xf32, #tpu.memory_space<vmem>>)
      %mul3A_291 = arith.constant 64 : i32
      %mul3A_292 = arith.muli %add3A_285, %mul3A_291 : i32
      %add3A_293 = arith.addi %mul3A_2, %mul3A_292 : i32
      %dma_start3A_294 = arith.constant 0 : i32
      %dma_start3A_295 = tpu.memref_slice %arg4[%add3A_293, %dma_start3A_294] : memref<320000x128xf32, #tpu.memory_space<hbm>> -> memref<64x128xf32, #tpu.memory_space<hbm>>
      %dma_start3A_296 = arith.constant 0 : i32
      %dma_start3A_297 = tpu.memref_slice %arg4[%add3A_293, %dma_start3A_296] : memref<320000x128xf32, #tpu.memory_space<hbm>> -> memref<64x128xf32, #tpu.memory_space<hbm>>
      tpu.enqueue_dma source(%arg7 : memref<64x128xf32, #tpu.memory_space<vmem>>) target(%dma_start3A_297 : memref<64x128xf32, #tpu.memory_space<hbm>>) target_semaphore(%arg12 : memref<!tpu.dma_semaphore, #tpu.memory_space<semaphore_mem>>)
      %mul3A_298 = arith.constant 5 : i32
      %mul3A_299 = arith.muli %while3A_206, %mul3A_298 : i32
      %add3A_300 = arith.constant 1 : i32
      %add3A_301 = arith.addi %mul3A_299, %add3A_300 : i32
      %dma_wait3A_302 = arith.constant 0 : i32
      %dma_wait3A_303 = arith.constant 0 : i32
      %dma_wait3A_304 = tpu.memref_slice %arg4[%dma_wait3A_302, %dma_wait3A_303] : memref<320000x128xf32, #tpu.memory_space<hbm>> -> memref<64x128xf32, #tpu.memory_space<hbm>>
      %dma_wait3A_305 = arith.constant 0 : i32
      %dma_wait3A_306 = tpu.memref_slice %arg4[%dma_wait3A_302, %dma_wait3A_305] : memref<320000x128xf32, #tpu.memory_space<hbm>> -> memref<64x128xf32, #tpu.memory_space<hbm>>
      tpu.wait_dma2 semaphore(%arg13 : memref<!tpu.dma_semaphore, #tpu.memory_space<semaphore_mem>>) src(%dma_wait3A_306 : memref<64x128xf32, #tpu.memory_space<hbm>>) dst(%arg8 : memref<64x128xf32, #tpu.memory_space<vmem>>)
      %mul3A_307 = arith.constant 64 : i32
      %mul3A_308 = arith.muli %add3A_301, %mul3A_307 : i32
      %add3A_309 = arith.addi %mul3A_2, %mul3A_308 : i32
      %dma_start3A_310 = arith.constant 0 : i32
      %dma_start3A_311 = tpu.memref_slice %arg4[%add3A_309, %dma_start3A_310] : memref<320000x128xf32, #tpu.memory_space<hbm>> -> memref<64x128xf32, #tpu.memory_space<hbm>>
      %dma_start3A_312 = arith.constant 0 : i32
      %dma_start3A_313 = tpu.memref_slice %arg4[%add3A_309, %dma_start3A_312] : memref<320000x128xf32, #tpu.memory_space<hbm>> -> memref<64x128xf32, #tpu.memory_space<hbm>>
      tpu.enqueue_dma source(%arg8 : memref<64x128xf32, #tpu.memory_space<vmem>>) target(%dma_start3A_313 : memref<64x128xf32, #tpu.memory_space<hbm>>) target_semaphore(%arg13 : memref<!tpu.dma_semaphore, #tpu.memory_space<semaphore_mem>>)
      %mul3A_314 = arith.constant 5 : i32
      %mul3A_315 = arith.muli %while3A_206, %mul3A_314 : i32
      %add3A_316 = arith.constant 2 : i32
      %add3A_317 = arith.addi %mul3A_315, %add3A_316 : i32
      %dma_wait3A_318 = arith.constant 0 : i32
      %dma_wait3A_319 = arith.constant 0 : i32
      %dma_wait3A_320 = tpu.memref_slice %arg4[%dma_wait3A_318, %dma_wait3A_319] : memref<320000x128xf32, #tpu.memory_space<hbm>> -> memref<64x128xf32, #tpu.memory_space<hbm>>
      %dma_wait3A_321 = arith.constant 0 : i32
      %dma_wait3A_322 = tpu.memref_slice %arg4[%dma_wait3A_318, %dma_wait3A_321] : memref<320000x128xf32, #tpu.memory_space<hbm>> -> memref<64x128xf32, #tpu.memory_space<hbm>>
      tpu.wait_dma2 semaphore(%arg14 : memref<!tpu.dma_semaphore, #tpu.memory_space<semaphore_mem>>) src(%dma_wait3A_322 : memref<64x128xf32, #tpu.memory_space<hbm>>) dst(%arg9 : memref<64x128xf32, #tpu.memory_space<vmem>>)
      %mul3A_323 = arith.constant 64 : i32
      %mul3A_324 = arith.muli %add3A_317, %mul3A_323 : i32
      %add3A_325 = arith.addi %mul3A_2, %mul3A_324 : i32
      %dma_start3A_326 = arith.constant 0 : i32
      %dma_start3A_327 = tpu.memref_slice %arg4[%add3A_325, %dma_start3A_326] : memref<320000x128xf32, #tpu.memory_space<hbm>> -> memref<64x128xf32, #tpu.memory_space<hbm>>
      %dma_start3A_328 = arith.constant 0 : i32
      %dma_start3A_329 = tpu.memref_slice %arg4[%add3A_325, %dma_start3A_328] : memref<320000x128xf32, #tpu.memory_space<hbm>> -> memref<64x128xf32, #tpu.memory_space<hbm>>
      tpu.enqueue_dma source(%arg9 : memref<64x128xf32, #tpu.memory_space<vmem>>) target(%dma_start3A_329 : memref<64x128xf32, #tpu.memory_space<hbm>>) target_semaphore(%arg14 : memref<!tpu.dma_semaphore, #tpu.memory_space<semaphore_mem>>)
      %mul3A_330 = arith.constant 5 : i32
      %mul3A_331 = arith.muli %while3A_206, %mul3A_330 : i32
      %add3A_332 = arith.constant 3 : i32
      %add3A_333 = arith.addi %mul3A_331, %add3A_332 : i32
      %dma_wait3A_334 = arith.constant 0 : i32
      %dma_wait3A_335 = arith.constant 0 : i32
      %dma_wait3A_336 = tpu.memref_slice %arg4[%dma_wait3A_334, %dma_wait3A_335] : memref<320000x128xf32, #tpu.memory_space<hbm>> -> memref<64x128xf32, #tpu.memory_space<hbm>>
      %dma_wait3A_337 = arith.constant 0 : i32
      %dma_wait3A_338 = tpu.memref_slice %arg4[%dma_wait3A_334, %dma_wait3A_337] : memref<320000x128xf32, #tpu.memory_space<hbm>> -> memref<64x128xf32, #tpu.memory_space<hbm>>
      tpu.wait_dma2 semaphore(%arg15 : memref<!tpu.dma_semaphore, #tpu.memory_space<semaphore_mem>>) src(%dma_wait3A_338 : memref<64x128xf32, #tpu.memory_space<hbm>>) dst(%arg10 : memref<64x128xf32, #tpu.memory_space<vmem>>)
      %mul3A_339 = arith.constant 64 : i32
      %mul3A_340 = arith.muli %add3A_333, %mul3A_339 : i32
      %add3A_341 = arith.addi %mul3A_2, %mul3A_340 : i32
      %dma_start3A_342 = arith.constant 0 : i32
      %dma_start3A_343 = tpu.memref_slice %arg4[%add3A_341, %dma_start3A_342] : memref<320000x128xf32, #tpu.memory_space<hbm>> -> memref<64x128xf32, #tpu.memory_space<hbm>>
      %dma_start3A_344 = arith.constant 0 : i32
      %dma_start3A_345 = tpu.memref_slice %arg4[%add3A_341, %dma_start3A_344] : memref<320000x128xf32, #tpu.memory_space<hbm>> -> memref<64x128xf32, #tpu.memory_space<hbm>>
      tpu.enqueue_dma source(%arg10 : memref<64x128xf32, #tpu.memory_space<vmem>>) target(%dma_start3A_345 : memref<64x128xf32, #tpu.memory_space<hbm>>) target_semaphore(%arg15 : memref<!tpu.dma_semaphore, #tpu.memory_space<semaphore_mem>>)
      %mul3A_346 = arith.constant 5 : i32
      %mul3A_347 = arith.muli %while3A_206, %mul3A_346 : i32
      %add3A_348 = arith.constant 4 : i32
      %add3A_349 = arith.addi %mul3A_347, %add3A_348 : i32
      %dma_wait3A_350 = arith.constant 0 : i32
      %dma_wait3A_351 = arith.constant 0 : i32
      %dma_wait3A_352 = tpu.memref_slice %arg4[%dma_wait3A_350, %dma_wait3A_351] : memref<320000x128xf32, #tpu.memory_space<hbm>> -> memref<64x128xf32, #tpu.memory_space<hbm>>
      %dma_wait3A_353 = arith.constant 0 : i32
      %dma_wait3A_354 = tpu.memref_slice %arg4[%dma_wait3A_350, %dma_wait3A_353] : memref<320000x128xf32, #tpu.memory_space<hbm>> -> memref<64x128xf32, #tpu.memory_space<hbm>>
      tpu.wait_dma2 semaphore(%arg16 : memref<!tpu.dma_semaphore, #tpu.memory_space<semaphore_mem>>) src(%dma_wait3A_354 : memref<64x128xf32, #tpu.memory_space<hbm>>) dst(%arg11 : memref<64x128xf32, #tpu.memory_space<vmem>>)
      %mul3A_355 = arith.constant 64 : i32
      %mul3A_356 = arith.muli %add3A_349, %mul3A_355 : i32
      %add3A_357 = arith.addi %mul3A_2, %mul3A_356 : i32
      %dma_start3A_358 = arith.constant 0 : i32
      %dma_start3A_359 = tpu.memref_slice %arg4[%add3A_357, %dma_start3A_358] : memref<320000x128xf32, #tpu.memory_space<hbm>> -> memref<64x128xf32, #tpu.memory_space<hbm>>
      %dma_start3A_360 = arith.constant 0 : i32
      %dma_start3A_361 = tpu.memref_slice %arg4[%add3A_357, %dma_start3A_360] : memref<320000x128xf32, #tpu.memory_space<hbm>> -> memref<64x128xf32, #tpu.memory_space<hbm>>
      tpu.enqueue_dma source(%arg11 : memref<64x128xf32, #tpu.memory_space<vmem>>) target(%dma_start3A_361 : memref<64x128xf32, #tpu.memory_space<hbm>>) target_semaphore(%arg16 : memref<!tpu.dma_semaphore, #tpu.memory_space<semaphore_mem>>)
    }
    %dma_wait3A_118 = arith.constant 0 : i32
    %dma_wait3A_119 = arith.constant 0 : i32
    %dma_wait3A_120 = tpu.memref_slice %arg4[%dma_wait3A_118, %dma_wait3A_119] : memref<320000x128xf32, #tpu.memory_space<hbm>> -> memref<64x128xf32, #tpu.memory_space<hbm>>
    %dma_wait3A_121 = arith.constant 0 : i32
    %dma_wait3A_122 = tpu.memref_slice %arg4[%dma_wait3A_118, %dma_wait3A_121] : memref<320000x128xf32, #tpu.memory_space<hbm>> -> memref<64x128xf32, #tpu.memory_space<hbm>>
    tpu.wait_dma2 semaphore(%arg12 : memref<!tpu.dma_semaphore, #tpu.memory_space<semaphore_mem>>) src(%dma_wait3A_122 : memref<64x128xf32, #tpu.memory_space<hbm>>) dst(%arg7 : memref<64x128xf32, #tpu.memory_space<vmem>>)
    %mul3A_123 = arith.constant 155 : i32
    %mul3A_124 = arith.constant 64 : i32
    %mul3A_125 = arith.muli %mul3A_123, %mul3A_124 : i32
    %dma_start3A_126 = tpu.memref_slice %arg6[%mul3A_125] : memref<10000xi32, #tpu.memory_space<vmem>> -> memref<64xi32, #tpu.memory_space<vmem>>
    %dma_start3A_127 = arith.constant 0 : i32
    %dma_start3A_128 = arith.constant 0 : i32
    %dma_start3A_129 = tpu.memref_slice %arg5[%dma_start3A_127, %dma_start3A_128] : memref<10000x128xf32, #tpu.memory_space<vmem_shared>> -> memref<10000x128xf32, #tpu.memory_space<vmem_shared>>
    tpu.enqueue_indirect_dma source(%dma_start3A_129 : memref<10000x128xf32, #tpu.memory_space<vmem_shared>>) target(%arg7 : memref<64x128xf32, #tpu.memory_space<vmem>>) offsets(%dma_start3A_126 : memref<64xi32, #tpu.memory_space<vmem>>) semaphore(%arg12 : memref<!tpu.dma_semaphore, #tpu.memory_space<semaphore_mem>>)
    %dma_wait3A_130 = arith.constant 0 : i32
    %dma_wait3A_131 = arith.constant 0 : i32
    %dma_wait3A_132 = tpu.memref_slice %arg4[%dma_wait3A_130, %dma_wait3A_131] : memref<320000x128xf32, #tpu.memory_space<hbm>> -> memref<64x128xf32, #tpu.memory_space<hbm>>
    %dma_wait3A_133 = arith.constant 0 : i32
    %dma_wait3A_134 = tpu.memref_slice %arg4[%dma_wait3A_130, %dma_wait3A_133] : memref<320000x128xf32, #tpu.memory_space<hbm>> -> memref<64x128xf32, #tpu.memory_space<hbm>>
    tpu.wait_dma2 semaphore(%arg13 : memref<!tpu.dma_semaphore, #tpu.memory_space<semaphore_mem>>) src(%dma_wait3A_134 : memref<64x128xf32, #tpu.memory_space<hbm>>) dst(%arg8 : memref<64x128xf32, #tpu.memory_space<vmem>>)
    %dma_start3A_135 = arith.constant 9984 : i32
    %dma_start3A_136 = arith.constant 0 : i32
    %dma_start3A_137 = arith.constant 0 : i32
    %dma_start3A_138 = tpu.memref_slice %arg8[%dma_start3A_136, %dma_start3A_137] : memref<64x128xf32, #tpu.memory_space<vmem>> -> memref<16x128xf32, #tpu.memory_space<vmem>>
    %dma_start3A_139 = tpu.memref_slice %arg6[%dma_start3A_135] : memref<10000xi32, #tpu.memory_space<vmem>> -> memref<16xi32, #tpu.memory_space<vmem>>
    %dma_start3A_140 = arith.constant 0 : i32
    %dma_start3A_141 = arith.constant 0 : i32
    %dma_start3A_142 = tpu.memref_slice %arg5[%dma_start3A_140, %dma_start3A_141] : memref<10000x128xf32, #tpu.memory_space<vmem_shared>> -> memref<10000x128xf32, #tpu.memory_space<vmem_shared>>
    tpu.enqueue_indirect_dma source(%dma_start3A_142 : memref<10000x128xf32, #tpu.memory_space<vmem_shared>>) target(%dma_start3A_138 : memref<16x128xf32, #tpu.memory_space<vmem>>) offsets(%dma_start3A_139 : memref<16xi32, #tpu.memory_space<vmem>>) semaphore(%arg13 : memref<!tpu.dma_semaphore, #tpu.memory_space<semaphore_mem>>)
    %dma_wait3A_143 = arith.constant 0 : i32
    %dma_wait3A_144 = arith.constant 0 : i32
    %dma_wait3A_145 = tpu.memref_slice %arg4[%dma_wait3A_143, %dma_wait3A_144] : memref<320000x128xf32, #tpu.memory_space<hbm>> -> memref<64x128xf32, #tpu.memory_space<hbm>>
    %dma_wait3A_146 = arith.constant 0 : i32
    %dma_wait3A_147 = tpu.memref_slice %arg4[%dma_wait3A_143, %dma_wait3A_146] : memref<320000x128xf32, #tpu.memory_space<hbm>> -> memref<64x128xf32, #tpu.memory_space<hbm>>
    tpu.wait_dma2 semaphore(%arg12 : memref<!tpu.dma_semaphore, #tpu.memory_space<semaphore_mem>>) src(%dma_wait3A_147 : memref<64x128xf32, #tpu.memory_space<hbm>>) dst(%arg7 : memref<64x128xf32, #tpu.memory_space<vmem>>)
    %mul3A_148 = arith.constant 155 : i32
    %mul3A_149 = arith.constant 64 : i32
    %mul3A_150 = arith.muli %mul3A_148, %mul3A_149 : i32
    %add3A_151 = arith.addi %mul3A_2, %mul3A_150 : i32
    %dma_start3A_152 = arith.constant 0 : i32
    %dma_start3A_153 = tpu.memref_slice %arg4[%add3A_151, %dma_start3A_152] : memref<320000x128xf32, #tpu.memory_space<hbm>> -> memref<64x128xf32, #tpu.memory_space<hbm>>
    %dma_start3A_154 = arith.constant 0 : i32
    %dma_start3A_155 = tpu.memref_slice %arg4[%add3A_151, %dma_start3A_154] : memref<320000x128xf32, #tpu.memory_space<hbm>> -> memref<64x128xf32, #tpu.memory_space<hbm>>
    tpu.enqueue_dma source(%arg7 : memref<64x128xf32, #tpu.memory_space<vmem>>) target(%dma_start3A_155 : memref<64x128xf32, #tpu.memory_space<hbm>>) target_semaphore(%arg12 : memref<!tpu.dma_semaphore, #tpu.memory_space<semaphore_mem>>)
    %add3A_156 = arith.constant 9984 : i32
    %add3A_157 = arith.addi %mul3A_2, %add3A_156 : i32
    %dma_wait3A_158 = arith.constant 0 : i32
    %dma_wait3A_159 = arith.constant 0 : i32
    %dma_wait3A_160 = arith.constant 0 : i32
    %dma_wait3A_161 = tpu.memref_slice %arg8[%dma_wait3A_159, %dma_wait3A_160] : memref<64x128xf32, #tpu.memory_space<vmem>> -> memref<16x128xf32, #tpu.memory_space<vmem>>
    %dma_wait3A_162 = arith.constant 0 : i32
    %dma_wait3A_163 = tpu.memref_slice %arg4[%dma_wait3A_158, %dma_wait3A_162] : memref<320000x128xf32, #tpu.memory_space<hbm>> -> memref<16x128xf32, #tpu.memory_space<hbm>>
    %dma_wait3A_164 = arith.constant 0 : i32
    %dma_wait3A_165 = tpu.memref_slice %arg8[%dma_wait3A_159, %dma_wait3A_164] : memref<64x128xf32, #tpu.memory_space<vmem>> -> memref<16x128xf32, #tpu.memory_space<vmem>>
    %dma_wait3A_166 = arith.constant 0 : i32
    %dma_wait3A_167 = tpu.memref_slice %arg4[%dma_wait3A_158, %dma_wait3A_166] : memref<320000x128xf32, #tpu.memory_space<hbm>> -> memref<16x128xf32, #tpu.memory_space<hbm>>
    tpu.wait_dma2 semaphore(%arg13 : memref<!tpu.dma_semaphore, #tpu.memory_space<semaphore_mem>>) src(%dma_wait3A_167 : memref<16x128xf32, #tpu.memory_space<hbm>>) dst(%dma_wait3A_165 : memref<16x128xf32, #tpu.memory_space<vmem>>)
    %dma_start3A_168 = arith.constant 0 : i32
    %dma_start3A_169 = arith.constant 0 : i32
    %dma_start3A_170 = tpu.memref_slice %arg8[%dma_start3A_168, %dma_start3A_169] : memref<64x128xf32, #tpu.memory_space<vmem>> -> memref<16x128xf32, #tpu.memory_space<vmem>>
    %dma_start3A_171 = arith.constant 0 : i32
    %dma_start3A_172 = tpu.memref_slice %arg4[%add3A_157, %dma_start3A_171] : memref<320000x128xf32, #tpu.memory_space<hbm>> -> memref<16x128xf32, #tpu.memory_space<hbm>>
    %dma_start3A_173 = arith.constant 0 : i32
    %dma_start3A_174 = tpu.memref_slice %arg4[%add3A_157, %dma_start3A_173] : memref<320000x128xf32, #tpu.memory_space<hbm>> -> memref<16x128xf32, #tpu.memory_space<hbm>>
    %dma_start3A_175 = arith.constant 0 : i32
    %dma_start3A_176 = tpu.memref_slice %arg8[%dma_start3A_168, %dma_start3A_175] : memref<64x128xf32, #tpu.memory_space<vmem>> -> memref<16x128xf32, #tpu.memory_space<vmem>>
    tpu.enqueue_dma source(%dma_start3A_176 : memref<16x128xf32, #tpu.memory_space<vmem>>) target(%dma_start3A_174 : memref<16x128xf32, #tpu.memory_space<hbm>>) target_semaphore(%arg13 : memref<!tpu.dma_semaphore, #tpu.memory_space<semaphore_mem>>)
    %dma_wait3A_177 = arith.constant 0 : i32
    %dma_wait3A_178 = arith.constant 0 : i32
    %dma_wait3A_179 = tpu.memref_slice %arg8[%dma_wait3A_177, %dma_wait3A_178] : memref<64x128xf32, #tpu.memory_space<vmem>> -> memref<16x128xf32, #tpu.memory_space<vmem>>
    %dma_wait3A_180 = arith.constant 0 : i32
    %dma_wait3A_181 = tpu.memref_slice %arg4[%add3A_157, %dma_wait3A_180] : memref<320000x128xf32, #tpu.memory_space<hbm>> -> memref<16x128xf32, #tpu.memory_space<hbm>>
    %dma_wait3A_182 = arith.constant 0 : i32
    %dma_wait3A_183 = tpu.memref_slice %arg4[%add3A_157, %dma_wait3A_182] : memref<320000x128xf32, #tpu.memory_space<hbm>> -> memref<16x128xf32, #tpu.memory_space<hbm>>
    %dma_wait3A_184 = arith.constant 0 : i32
    %dma_wait3A_185 = tpu.memref_slice %arg8[%dma_wait3A_177, %dma_wait3A_184] : memref<64x128xf32, #tpu.memory_space<vmem>> -> memref<16x128xf32, #tpu.memory_space<vmem>>
    tpu.wait_dma2 semaphore(%arg13 : memref<!tpu.dma_semaphore, #tpu.memory_space<semaphore_mem>>) src(%dma_wait3A_185 : memref<16x128xf32, #tpu.memory_space<vmem>>) dst(%dma_wait3A_183 : memref<16x128xf32, #tpu.memory_space<hbm>>)
    %dma_wait3A_186 = arith.constant 0 : i32
    %dma_wait3A_187 = arith.constant 0 : i32
    %dma_wait3A_188 = tpu.memref_slice %arg4[%dma_wait3A_186, %dma_wait3A_187] : memref<320000x128xf32, #tpu.memory_space<hbm>> -> memref<64x128xf32, #tpu.memory_space<hbm>>
    %dma_wait3A_189 = arith.constant 0 : i32
    %dma_wait3A_190 = tpu.memref_slice %arg4[%dma_wait3A_186, %dma_wait3A_189] : memref<320000x128xf32, #tpu.memory_space<hbm>> -> memref<64x128xf32, #tpu.memory_space<hbm>>
    tpu.wait_dma2 semaphore(%arg12 : memref<!tpu.dma_semaphore, #tpu.memory_space<semaphore_mem>>) src(%dma_wait3A_190 : memref<64x128xf32, #tpu.memory_space<hbm>>) dst(%arg7 : memref<64x128xf32, #tpu.memory_space<vmem>>)
    %dma_wait3A_191 = arith.constant 0 : i32
    %dma_wait3A_192 = arith.constant 0 : i32
    %dma_wait3A_193 = tpu.memref_slice %arg4[%dma_wait3A_191, %dma_wait3A_192] : memref<320000x128xf32, #tpu.memory_space<hbm>> -> memref<64x128xf32, #tpu.memory_space<hbm>>
    %dma_wait3A_194 = arith.constant 0 : i32
    %dma_wait3A_195 = tpu.memref_slice %arg4[%dma_wait3A_191, %dma_wait3A_194] : memref<320000x128xf32, #tpu.memory_space<hbm>> -> memref<64x128xf32, #tpu.memory_space<hbm>>
    tpu.wait_dma2 semaphore(%arg14 : memref<!tpu.dma_semaphore, #tpu.memory_space<semaphore_mem>>) src(%dma_wait3A_195 : memref<64x128xf32, #tpu.memory_space<hbm>>) dst(%arg9 : memref<64x128xf32, #tpu.memory_space<vmem>>)
    %dma_wait3A_196 = arith.constant 0 : i32
    %dma_wait3A_197 = arith.constant 0 : i32
    %dma_wait3A_198 = tpu.memref_slice %arg4[%dma_wait3A_196, %dma_wait3A_197] : memref<320000x128xf32, #tpu.memory_space<hbm>> -> memref<64x128xf32, #tpu.memory_space<hbm>>
    %dma_wait3A_199 = arith.constant 0 : i32
    %dma_wait3A_200 = tpu.memref_slice %arg4[%dma_wait3A_196, %dma_wait3A_199] : memref<320000x128xf32, #tpu.memory_space<hbm>> -> memref<64x128xf32, #tpu.memory_space<hbm>>
    tpu.wait_dma2 semaphore(%arg15 : memref<!tpu.dma_semaphore, #tpu.memory_space<semaphore_mem>>) src(%dma_wait3A_200 : memref<64x128xf32, #tpu.memory_space<hbm>>) dst(%arg10 : memref<64x128xf32, #tpu.memory_space<vmem>>)
    %dma_wait3A_201 = arith.constant 0 : i32
    %dma_wait3A_202 = arith.constant 0 : i32
    %dma_wait3A_203 = tpu.memref_slice %arg4[%dma_wait3A_201, %dma_wait3A_202] : memref<320000x128xf32, #tpu.memory_space<hbm>> -> memref<64x128xf32, #tpu.memory_space<hbm>>
    %dma_wait3A_204 = arith.constant 0 : i32
    %dma_wait3A_205 = tpu.memref_slice %arg4[%dma_wait3A_201, %dma_wait3A_204] : memref<320000x128xf32, #tpu.memory_space<hbm>> -> memref<64x128xf32, #tpu.memory_space<hbm>>
    tpu.wait_dma2 semaphore(%arg16 : memref<!tpu.dma_semaphore, #tpu.memory_space<semaphore_mem>>) src(%dma_wait3A_205 : memref<64x128xf32, #tpu.memory_space<hbm>>) dst(%arg11 : memref<64x128xf32, #tpu.memory_space<vmem>>)
    return
  }
}

</mosaic_0001>

<sc_bundles>
// kernel: kernel.3.cloned.1.call-start
scs
__scs_entry_jumppad:
0x0: {  	(pc) =	sbr.rel $0x88, $3  }
0x1: {  	(tag) =	ssettag $0x0;
	lr =	simm.s32 $0x1  }
0x2: {  	[smem:$0x3F9F] =	sst lr;
	_ =	strace $0xD0000000  }
0x3: {  	_ = 	snop  }
0x4: {  	_ = 	snop  }
0x5: {  	_ = 	snop  }
0x6: {  	_ = 	snop  }
0x7: {  	_ = 	snop  }
__scs_overlays_trampoline_lowered:
0x8: {  	[smem:$0x3FAE] =	sst s0  }
0x9: {  	[smem:$0x3FAF] =	sst s1  }
0xa: {  	[smem:$0x3FB0] =	sst s2  }
0xb: {  	[smem:$0x3FB1] =	sst s3  }
0xc: {  	[smem:$0x3FB2] =	sst s4  }
0xd: {  	[smem:$0x3FB3] =	sst s5  }
0xe: {  	[smem:$0x3FB4] =	sst s6  }
0xf: {  	[smem:$0x3FB5] =	sst s7  }
0x10: {  	[smem:$0x3FB6] =	sst s8  }
0x11: {  	[smem:$0x3FB7] =	sst s9;
	s0 =	simm.s32 @!p0 $0x0  }
0x12: {  	s1 =	sld [smem:$0x3F9D];
	s0 =	simm.s32 @p0 $0x1  }
0x13: {  	[smem:$0x3FB8] =	sst s0;
	s0 =	simm.s32 @!p1 $0x0  }
0x14: {  	s2 =	sld [smem:$0x3F9C];
	s0 =	simm.s32 @p1 $0x1  }
0x15: {  	[smem:$0x3FB9] =	sst s0;
	s0 =	simm.s32 @!p2 $0x0  }
0x16: {  	s3 =	sld [smem:$0x3FDB];
	s0 =	simm.s32 @p2 $0x1  }
0x17: {  	s4 =	simm.s32 $0x1BF5;
	[smem:$0x3FBB] =	sst s0  }
0x18: {  	s0 =	sld [smem:$0x3F9E];
	_ =	swait.ge [sflag:s4], $0x0  }
0x19: {  	s7 =	sld [smem:$0x3F9F]  }
0x1a: {  	s8 =	sadd.s32 $0xFFFFE003, lr  }
0x1b: {  	s9 =	sadd.s32 $0xFFFFFEF7, lr;
	s5 =	simm.s32 $0xFFFFFFFF;
	p2 =	slt.u32 s8, $0xFFFFF086  }
0x1c: {  	p1 =	slt.u32 s9, $0xF7A;
	s5 =	simm.s32 @!p2 $0x0  }
0x1d: {  	s5 =	simm.s32 @p1 $0x1;
	p0 =	seq.s32 s7, s2  }
0x1e: {  	s7 =	smul.u32 @!p0 $0xF7A, s2;
	p2 =	seq.s32 @!p0 s5, $0x0  }
0x1f: {  	s9 =	smul.u32 $0xF7A, s1;
	s8 =	simm.s32 @!p0 $0x1BF5;
	p2 =	por !p2, p0  }
0x20: {  	[sflag:s8] =	ssyncset.s32 @!p0 $0xFFFFF086;
	s6 =	sadd.s32 @!p0 s3, s7;
	s7 =	simm.s32 @!p0 $0x108  }
0x21: {  	s3 =	sadd.s32 s3, s9;
	s6 =	sadd.s32 @!p0 $0x88, s6;
	s7 =	simm.s32 @p2 $0x1082  }
0x22: {  	[simem:s7], [sflag:s8] =	dma.local @!p0 [hbm:s6], $0xF7A  }
0x23: {  	s9 =	sor.u32 $0xD0000000, s2;
	s6 =	simm.s32 $0x108;
	_ =	swait.ge @!p0 [sflag:s8], $0x0  }
0x24: {  	s3 =	sadd.s32 $0x88, s3;
	s6 =	simm.s32 @!p1 $0x1082;
	[sflag:s4] =	ssyncset.s32 $0xFFFFF086  }
0x25: {  	[simem:s6], [sflag:s4] =	dma.local [hbm:s3], $0xF7A  }
0x26: {  	[smem:$0x3F9F] =	sst s1;
	(tag) =	ssettag s2;
	_ =	strace s9  }
0x27: {  	s1 =	sld [smem:$0x3FAF]  }
0x28: {  	s2 =	sld [smem:$0x3FB0]  }
0x29: {  	s4 =	sld [smem:$0x3FB2]  }
0x2a: {  	p0 =	seq.s32 s5, $0x0;
	s5 =	sld [smem:$0x3FB3]  }
0x2b: {  	s6 =	sld [smem:$0x3FB4]  }
0x2c: {  	s7 =	sld [smem:$0x3FB5]  }
0x2d: {  	s3 =	simm.s32 $0x108;
	s8 =	sld [smem:$0x3FB6]  }
0x2e: {  	s3 =	simm.s32 @!p0 $0x1082;
	s9 =	sld [smem:$0x3FB7]  }
0x2f: {  	lr =	sadd.s32 s0, s3;
	s0 =	sld [smem:$0x3FAE]  }
0x30: {  	s3 =	sld [smem:$0x3FB1]  }
0x31: {  	[smem:$0x3FBA] =	sst s10  }
0x32: {  	s10 =	sld [smem:$0x3FB8];
	_ =	sdelay $0x3  }
0x33: {  	p0 =	seq.s32 s10, $0x1;
	s10 =	sld [smem:$0x3FBA];
	_ =	sdelay $0x3  }
0x34: {  	[smem:$0x3FBA] =	sst s10  }
0x35: {  	s10 =	sld [smem:$0x3FB9];
	_ =	sdelay $0x3  }
0x36: {  	p1 =	seq.s32 s10, $0x1;
	s10 =	sld [smem:$0x3FBA];
	_ =	sdelay $0x3  }
0x37: {  	[smem:$0x3FBA] =	sst s10  }
0x38: {  	s10 =	sld [smem:$0x3FBB]  }
0x39: {  	_ = 	snop;
	(pc) =	sbr.ind lr, $3  }
0x3a: {  	_ = 	snop  }
0x3b: {  	_ = 	snop  }
0x3c: {  	p2 =	seq.s32 s10, $0x1;
	s10 =	sld [smem:$0x3FBA]  }
0x3d: {  	_ =	shalt  }
0x3e: {  	_ =	shalt  }
0x3f: {  	_ =	shalt  }
0x40: {  	_ =	shalt  }
0x41: {  	_ =	shalt  }
0x42: {  	_ =	shalt  }
0x43: {  	_ =	shalt  }
0x44: {  	_ =	shalt  }
0x45: {  	_ =	shalt  }
0x46: {  	_ =	shalt  }
0x47: {  	_ =	shalt  }
0x48: {  	_ =	shalt  }
0x49: {  	_ =	shalt  }
0x4a: {  	_ =	shalt  }
0x4b: {  	_ =	shalt  }
0x4c: {  	_ =	shalt  }
0x4d: {  	_ =	shalt  }
0x4e: {  	_ =	shalt  }
0x4f: {  	_ =	shalt  }
0x50: {  	_ =	shalt  }
0x51: {  	_ =	shalt  }
0x52: {  	_ =	shalt  }
0x53: {  	_ =	shalt  }
0x54: {  	_ =	shalt  }
0x55: {  	_ =	shalt  }
0x56: {  	_ =	shalt  }
0x57: {  	_ =	shalt  }
0x58: {  	_ =	shalt  }
0x59: {  	_ =	shalt  }
0x5a: {  	_ =	shalt  }
0x5b: {  	_ =	shalt  }
0x5c: {  	_ =	shalt  }
0x5d: {  	_ =	shalt  }
0x5e: {  	_ =	shalt  }
0x5f: {  	_ =	shalt  }
0x60: {  	_ =	shalt  }
0x61: {  	_ =	shalt  }
0x62: {  	_ =	shalt  }
0x63: {  	_ =	shalt  }
0x64: {  	_ =	shalt  }
0x65: {  	_ =	shalt  }
0x66: {  	_ =	shalt  }
0x67: {  	_ =	shalt  }
0x68: {  	_ =	shalt  }
0x69: {  	_ =	shalt  }
0x6a: {  	_ =	shalt  }
0x6b: {  	_ =	shalt  }
0x6c: {  	_ =	shalt  }
0x6d: {  	_ =	shalt  }
0x6e: {  	_ =	shalt  }
0x6f: {  	_ =	shalt  }
0x70: {  	_ =	shalt  }
0x71: {  	_ =	shalt  }
0x72: {  	_ =	shalt  }
0x73: {  	_ =	shalt  }
0x74: {  	_ =	shalt  }
0x75: {  	_ =	shalt  }
0x76: {  	_ =	shalt  }
0x77: {  	_ =	shalt  }
0x78: {  	_ =	shalt  }
0x79: {  	_ =	shalt  }
0x7a: {  	_ =	shalt  }
0x7b: {  	_ =	shalt  }
0x7c: {  	_ =	shalt  }
0x7d: {  	_ =	shalt  }
0x7e: {  	_ =	shalt  }
0x7f: {  	_ =	shalt  }
0x80: {  	_ =	shalt  }
0x81: {  	_ =	shalt  }
0x82: {  	_ =	shalt  }
0x83: {  	_ =	shalt  }
0x84: {  	_ =	shalt  }
0x85: {  	_ =	shalt  }
0x86: {  	_ =	shalt  }
0x87: {  	_ =	shalt  }
.Lfunc_end0:
.L_simem_size_0:
called_computation_lowered:
.L_overlay_start_0:
0x88: {  	s2 =	sld [smem:$0x3FD9]  }
0x89: {  	s3 =	sld [smem:$0x3FFE];
	_ =	sdelay $0x1  }
0x8a: {  	s1 =	srdreg.scid  }
0x8b: {  	s0 =	sand.u32 $0x1, s1  }
0x8c: {  	s17 =	sshll.u32 s0, $0xA;
	s2 =	sadd.s32 s3, s2  }
0x8d: {  	s2 =	sadd.s32 s2, s17  }
0x8e: {  	[smem:$0x3FC6] =	sst s2  }
0x8f: {  	_ = 	snop  }
0x90: {  	s2 =	sld [smem:$0x3FC9]  }
0x91: {  	s18 =	sld [smem:$0x3FD0];
	(tm) =	ssettm $0x1  }
0x92: {  	s4 =	sld [smem:$0x3FFB];
	_ =	sdelay $0x3  }
0x93: {  	_ =	strace s4  }
0x94: {  	s4 =	sld [smem:$0x3FFC];
	_ =	sdelay $0x3  }
0x95: {  	_ =	strace s4  }
0x96: {  	s4 =	sld [smem:$0x3FFD];
	_ =	sdelay $0x3  }
0x97: {  	_ =	strace s4  }
0x98: {  	_ =	strace $0x8FFFFFFF  }
0x99: {  	s19 =	sld [smem:$0x3FDB];
	_ =	sdelay $0x1  }
0x9a: {  	s5 =	simm.s32 $_scs_section_size  }
0x9b: {  	s6 =	simm.s32 $_size__tile_overlayer_lowered;
	s7 =	simm.s32 $_tile_overlayer_lowered  }
0x9c: {  	s22 =	simm.s32 $0x1BFF;
	s21 =	sshll.u32 s7, $0x1;
	s4 =	sadd.s32 s5, s19  }
0x9d: {  	s8 =	simm.s32 $0x0;
	s20 =	sshll.u32 s6, $0x1;
	s6 =	sadd.s32 s21, s4  }
0x9e: {  	[timem:s8], [sflag:s22] =	dma.local [hbm:s6], s20  }
0x9f: {  	_ =	swait.ge [sflag:s22], s20  }
0xa0: {  	s5 =	ssub.s32 $0x0, s20;
	[sflag:s22] =	ssyncset.done $0x0  }
0xa1: {  	[sflag:s22] =	ssyncadd.s32 s5;
	_ =	sdelay $0x1  }
0xa2: {  	s23 =	simm.s32 $0x1B8B  }
0xa3: {  	_ =	swait.ge [sflag:s23], $0x1  }
0xa4: {  	[sflag:s23] =	ssyncset.done $0x0  }
0xa5: {  	s25 =	simm.s32 $0x1B8E;
	s24 =	sld [smem:$0x3FFE];
	[sflag:s23] =	ssyncadd.s32 $0xFFFFFFFF  }
0xa6: {  	s26 =	simm.s32 $execute0_lowered;
	[smem:$0x3FD2] =	sst s25  }
0xa7: {  	s6 =	sshll.u32 s26, $0x1;
	_ =	strace $0x80000046;
	[dreg:$0x1] =	wrdreg $0xFFFFFFFF  }
0xa8: {  	s28 =	simm.s32 $_size_execute0_lowered;
	s4 =	sadd.s32 s4, s6;
	[dreg:$0x0] =	wrdreg $0x0  }
0xa9: {  	s6 =	sshll.u32 s28, $0x1;
	[dreg:$0x2] =	wrdreg s4  }
0xaa: {  	[dreg:$0x3] =	wrdreg s6  }
0xab: {  	[dreg:$0x4] =	wrdreg $0xC0  }
0xac: {  	_ =	task [dreg:s8], $0x5FFFF  }
0xad: {  	[dreg:$0x1] =	wrdreg $0xFFFFFFFF  }
0xae: {  	[dreg:$0x0] =	wrdreg $0x60  }
0xaf: {  	[dreg:$0x2] =	wrdreg s2  }
0xb0: {  	[dreg:$0x3] =	wrdreg s24  }
0xb1: {  	[dreg:$0x4] =	wrdreg s18  }
0xb2: {  	[dreg:$0x5] =	wrdreg $0x0  }
0xb3: {  	[dreg:$0x6] =	wrdreg $0x9  }
0xb4: {  	_ =	task.clear_ibuf [dreg:s8], $0x7FFFF;
	_ =	strace $0x90000046  }
0xb5: {  	s29 =	simm.s32 $0x9;
	_ =	strace $0x80000048  }
0xb6: {  	_ =	swait.ge [sflag:s29], $0x1  }
0xb7: {  	[sflag:s29] =	ssyncadd.s32 $0xFFFFFFFF  }
0xb8: {  	_ =	strace $0x90000048  }
0xb9: {  	_ =	sfence  }
0xba: {  	s30 =	sld [smem:$0x0];
	_ =	sdelay $0x2  }
0xbb: {  	s31 =	sshll.u32 s1, $0xD;
	s1 =	sshrl.u32 s1, $0x2  }
0xbc: {  	s3 =	sand.u32 $0x4000, s31;
	s1 =	sadd.s32 s1, s30  }
0xbd: {  	s0 =	sor.u32 s3, s0;
	s1 =	sshll.u32 s1, $0x11  }
0xbe: {  	s0 =	sor.u32 s1, s0  }
0xbf: {  	s0 =	sadd.s32 $0x8F2B, s0  }
0xc0: {  	[sflag:s0] =	ssyncadd.remote.s32 $0x1  }
0xc1: {  	_ =	sfence.sel $0xFFFF  }
0xc2: {  	[dreg:$0x0] =	wrdreg $0xFFFFFFFF;
	(pc) =	sbr.abs _section_cstart, $3  }
0xc3: {  	[dreg:$0x1] =	wrdreg $0xFFFFFFFF  }
0xc4: {  	_ =	task.clear_ibuf [dreg:s8], $0x2FFFF;
	_ =	strace $0x9FFFFFFF  }
0xc5: {  	(tm) =	ssettm $0x7FFFFFFF  }
tec
execute0_lowered:
.L_overlay_start_1:
0x0: {  	(tag) =	ssettag $0x1  }
0x1: {  	s0 =	rddreg [dreg:$0x0]  }
0x2: {  	s2 =	rddreg [dreg:$0x1]  }
0x3: {  	s4 =	rddreg [dreg:$0x2];
	s3 =	srdreg.scid  }
0x4: {  	s1 =	rddreg [dreg:$0x3];
	s17 =	stileid.u32;
	s29 =	simm.s32 $0x1A000  }
0x5: {  	s31 =	simm.s32 $0x1C000;
	s28 =	simm.s32 $0x4;
	s30 =	simm.s32 $0x5  }
0x6: {  	s5 =	sand.u32 $0x1, s3;
	s3 =	simm.s32 $0x0;
	s19 =	smul.u32 $0x4E000, s17  }
0x7: {  	s8 =	sshll.u32 s17, $0x1;
	s9 =	smul.u32 $0x2700, s17;
	s10 =	sshrl.u32 s17, $0x2  }
0x8: {  	s16 =	sadd.s32 $0x124800, s1;
	s25 =	smul.u32 $0x4E200, s17;
	p0 =	seq.s32 s17, $0xF  }
0x9: {  	s6 =	ssub.s32 $0x2, s5;
	[smem:$0x7FF] =	sst s3;
	s10 =	smul.u32 $0x13C00, s10  }
0xa: {  	s8 =	sor.u32 s5, s8;
	s26 =	smul.u32 $0x27100, s5;
	s16 =	sshrl.u32 @p0 s16, $0x3  }
0xb: {  	s7 =	sshrl.u32 s6, $0x1;
	_ =	strace $0x80000047;
	s11 =	smul.u32 $0x138800, s8  }
0xc: {  	s20 =	sshll.u32 s8, $0x7;
	s9 =	sadd.s32 s0, s9;
	s8 =	smul.u32 $0x27100, s8  }
0xd: {  	s0 =	sadd.s32 $0x24900, s0;
	s6 =	ssub.s32 s6, s7;
	[dreg:$0x5] =	wrdreg s9  }
0xe: {  	s7 =	sshrl.u32 s19, $0x2;
	[dreg:$0x6] =	wrdreg s0;
	s19 =	simm.s32 $0x1  }
0xf: {  	s15 =	sadd.s32 s7, s1;
	s7 =	sand.u32 $0x380, s20;
	s21 =	sshrl.u32 s11, $0x3  }
0x10: {  	s23 =	sadd.s32 s4, s8;
	s14 =	smax.u32 s6, $0x1;
	s20 =	simm.s32 $0x2  }
0x11: {  	s7 =	sor.u32 s10, s7;
	s13 =	sadd.s32 s4, s21;
	[dreg:$0x8] =	wrdreg s23  }
0x12: {  	s18 =	sshrl.u32 @!p0 s15, $0x3;
	s21 =	simm.s32 $0x13880;
	s23 =	simm.s32 $0x40  }
0x13: {  	s22 =	sshrl.u32 s7, $0x3;
	s24 =	sadd.s32 $0x400, s13;
	s9 =	sadd.s32 $0x800, s13  }
0x14: {  	s10 =	sadd.s32 $0xC00, s13;
	s11 =	sadd.s32 $0x1000, s13;
	s12 =	sadd.s32 $0x26C00, s13  }
0x15: {  	s13 =	sadd.s32 $0x27000, s13;
	s0 =	sadd.s32 s2, s22;
	[dreg:$0x9] =	wrdreg s24  }
0x16: {  	s2 =	sshll.u32 @!p0 s17, $0x6;
	s22 =	simm.s32 $0x6;
	s24 =	simm.s32 $0x16000  }
0x17: {  	[dreg:$0x7] =	wrdreg s0;
	s0 =	sadd.s32 s25, s4;
	s17 =	sor.u32 @!p0 $0x1C06, s2  }
0x18: {  	s2 =	simm.s32 $0x1E000;
	s25 =	simm.s32 $0x3;
	s0 =	sadd.s32 s26, s0  }
0x19: {  	s26 =	simm.s32 $0x18000;
	s6 =	sadd.s32 $0x2400, s0;
	s0 =	simm.s32 $0x0  }
.LBB2_1:
0x1a: {  	s4 =	simm.s32 @p0 $0x1FC6;
	s5 =	rddreg [dreg:$0x6]  }
0x1b: {  	[spmem:s16], [sflag:s4] =	dma.local @p0 [hbm:s5], $0x2800  }
0x1c: {  	s4 =	simm.s32 @p0 $0x6  }
0x1d: {  	_ =	swait.ge @p0 [sflag:s4], $0x2800  }
0x1e: {  	[sflag:s4] =	ssyncset.done @p0 $0x0  }
0x1f: {  	[sflag:s4] =	ssyncadd.s32 @p0 $0xFFFFD800;
	s4 =	rddreg [dreg:$0x5]  }
0x20: {  	[spmem:s18], [sflag:s17] =	dma.local @!p0 [hbm:s4], $0x2700  }
0x21: {  	s4 =	simm.s32 @!p0 $0x6  }
0x22: {  	_ =	swait.ge @!p0 [sflag:s4], $0x2700  }
0x23: {  	s15 =	simm.s32 $0x80;
	[sflag:s4] =	ssyncset.done @!p0 $0x0  }
0x24: {  	s7 =	simm.s32 $0x400;
	s8 =	rddreg [dreg:$0x7];
	[sflag:s4] =	ssyncadd.s32 @!p0 $0xFFFFD900  }
0x25: {  	[tilespmem:s21], [sflag:$0x6] =	stream.strided.gather [hbm4b:s8+s15], $0x2780, s7, s15, $0x38;
	v63 =	vld [tilespmem:$0x0]  }
0x26: {  	_ =	swait.ge [sflag:s22], $0x2780  }
0x27: {  	[sflag:s22] =	ssyncset.done $0x0  }
0x28: {  	[sflag:s22] =	ssyncadd.s32 $0xFFFFD880  }
0x29: {  	[bflag:$0x0] =	sbarrier.arrive $0xFFFF  }
0x2a: {  	[tilespmem:s24], [sflag:$0x1] =	stream.indirect.gather [spmem:s1], $0x80, s21, s23, $0xb8;
	v63 =	vld [tilespmem:$0x0]  }
0x2b: {  	s7 =	simm.s32 $0x138C0  }
0x2c: {  	[tilespmem:s26], [sflag:$0x2] =	stream.indirect.gather [spmem:s1], $0x80, s7, s23, $0xb8;
	v63 =	vld [tilespmem:$0x0]  }
0x2d: {  	s8 =	simm.s32 $0x13900  }
0x2e: {  	[tilespmem:s29], [sflag:$0x3] =	stream.indirect.gather [spmem:s1], $0x80, s8, s23, $0xb8;
	v63 =	vld [tilespmem:$0x0]  }
0x2f: {  	s15 =	simm.s32 $0x13940  }
0x30: {  	[tilespmem:s31], [sflag:$0x4] =	stream.indirect.gather [spmem:s1], $0x80, s15, s23, $0xb8;
	v63 =	vld [tilespmem:$0x0]  }
0x31: {  	s5 =	simm.s32 $0x13980  }
0x32: {  	[tilespmem:s2], [sflag:$0x5] =	stream.indirect.gather [spmem:s1], $0x80, s5, s23, $0xb8;
	v63 =	vld [tilespmem:$0x0]  }
0x33: {  	_ =	swait.ge [sflag:s19], $0x2000  }
0x34: {  	[sflag:s19] =	ssyncset.done $0x0  }
0x35: {  	s7 =	rddreg [dreg:$0x8];
	[sflag:s19] =	ssyncadd.s32 $0xFFFFE000  }
0x36: {  	[hbm4b:s7+s3] =	stream.linear.scatter [tilespmem:s24], [sflag:$0x1], $0x2000, $0x38;
	v63 =	vld [tilespmem:$0x0]  }
0x37: {  	_ =	swait.ge [sflag:s20], $0x2000  }
0x38: {  	[sflag:s20] =	ssyncset.done $0x0  }
0x39: {  	s8 =	rddreg [dreg:$0x9];
	[sflag:s20] =	ssyncadd.s32 $0xFFFFE000  }
0x3a: {  	[hbm4b:s8+s3] =	stream.linear.scatter [tilespmem:s26], [sflag:$0x2], $0x2000, $0x38;
	v63 =	vld [tilespmem:$0x0]  }
0x3b: {  	_ =	swait.ge [sflag:s25], $0x2000  }
0x3c: {  	[sflag:s25] =	ssyncset.done $0x0  }
0x3d: {  	[sflag:s25] =	ssyncadd.s32 $0xFFFFE000  }
0x3e: {  	[hbm4b:s9+s3] =	stream.linear.scatter [tilespmem:s29], [sflag:$0x3], $0x2000, $0x38;
	v63 =	vld [tilespmem:$0x0]  }
0x3f: {  	_ =	swait.ge [sflag:s28], $0x2000  }
0x40: {  	[sflag:s28] =	ssyncset.done $0x0  }
0x41: {  	[sflag:s28] =	ssyncadd.s32 $0xFFFFE000  }
0x42: {  	[hbm4b:s10+s3] =	stream.linear.scatter [tilespmem:s31], [sflag:$0x4], $0x2000, $0x38;
	v63 =	vld [tilespmem:$0x0]  }
0x43: {  	_ =	swait.ge [sflag:s30], $0x2000  }
0x44: {  	[sflag:s30] =	ssyncset.done $0x0  }
0x45: {  	[sflag:s30] =	ssyncadd.s32 $0xFFFFE000  }
0x46: {  	[hbm4b:s11+s3] =	stream.linear.scatter [tilespmem:s2], [sflag:$0x5], $0x2000, $0x38;
	v63 =	vld [tilespmem:$0x0]  }
0x47: {  	_ =	swait.ge [sflag:s19], $0x2000  }
0x48: {  	[sflag:s19] =	ssyncset.done $0x0  }
0x49: {  	s15 =	simm.s32 $0x139C0;
	[sflag:s19] =	ssyncadd.s32 $0xFFFFE000  }
0x4a: {  	[tilespmem:s24], [sflag:$0x1] =	stream.indirect.gather [spmem:s1], $0x80, s15, s23, $0xb8;
	v63 =	vld [tilespmem:$0x0]  }
0x4b: {  	_ =	swait.ge [sflag:s20], $0x2000  }
0x4c: {  	[sflag:s20] =	ssyncset.done $0x0  }
0x4d: {  	s5 =	simm.s32 $0x13A00;
	[sflag:s20] =	ssyncadd.s32 $0xFFFFE000  }
0x4e: {  	[tilespmem:s26], [sflag:$0x2] =	stream.indirect.gather [spmem:s1], $0x80, s5, s23, $0xb8;
	v63 =	vld [tilespmem:$0x0]  }
0x4f: {  	_ =	swait.ge [sflag:s25], $0x2000  }
0x50: {  	[sflag:s25] =	ssyncset.done $0x0  }
0x51: {  	s7 =	simm.s32 $0x13A40;
	[sflag:s25] =	ssyncadd.s32 $0xFFFFE000  }
0x52: {  	[tilespmem:s29], [sflag:$0x3] =	stream.indirect.gather [spmem:s1], $0x80, s7, s23, $0xb8;
	v63 =	vld [tilespmem:$0x0]  }
0x53: {  	_ =	swait.ge [sflag:s28], $0x2000  }
0x54: {  	[sflag:s28] =	ssyncset.done $0x0  }
0x55: {  	s8 =	simm.s32 $0x13A80;
	[sflag:s28] =	ssyncadd.s32 $0xFFFFE000  }
0x56: {  	[tilespmem:s31], [sflag:$0x4] =	stream.indirect.gather [spmem:s1], $0x80, s8, s23, $0xb8;
	v63 =	vld [tilespmem:$0x0]  }
0x57: {  	_ =	swait.ge [sflag:s30], $0x2000  }
0x58: {  	[sflag:s30] =	ssyncset.done $0x0  }
0x59: {  	s15 =	simm.s32 $0x13AC0;
	[sflag:s30] =	ssyncadd.s32 $0xFFFFE000  }
0x5a: {  	[tilespmem:s2], [sflag:$0x5] =	stream.indirect.gather [spmem:s1], $0x80, s15, s23, $0xb8;
	v63 =	vld [tilespmem:$0x0]  }
0x5b: {  	_ =	swait.ge [sflag:s19], $0x2000  }
0x5c: {  	[sflag:s19] =	ssyncset.done $0x0  }
0x5d: {  	s5 =	sadd.s32 $0xFFFFF000, s6;
	[sflag:s19] =	ssyncadd.s32 $0xFFFFE000  }
0x5e: {  	[hbm4b:s5+s3] =	stream.linear.scatter [tilespmem:s24], [sflag:$0x1], $0x2000, $0x38;
	v63 =	vld [tilespmem:$0x0]  }
0x5f: {  	_ =	swait.ge [sflag:s20], $0x2000  }
0x60: {  	[sflag:s20] =	ssyncset.done $0x0  }
0x61: {  	s7 =	sadd.s32 $0xFFFFF400, s6;
	[sflag:s20] =	ssyncadd.s32 $0xFFFFE000  }
0x62: {  	[hbm4b:s7+s3] =	stream.linear.scatter [tilespmem:s26], [sflag:$0x2], $0x2000, $0x38;
	v63 =	vld [tilespmem:$0x0]  }
0x63: {  	_ =	swait.ge [sflag:s25], $0x2000  }
0x64: {  	[sflag:s25] =	ssyncset.done $0x0  }
0x65: {  	s8 =	sadd.s32 $0xFFFFF800, s6;
	[sflag:s25] =	ssyncadd.s32 $0xFFFFE000  }
0x66: {  	[hbm4b:s8+s3] =	stream.linear.scatter [tilespmem:s29], [sflag:$0x3], $0x2000, $0x38;
	v63 =	vld [tilespmem:$0x0]  }
0x67: {  	_ =	swait.ge [sflag:s28], $0x2000  }
0x68: {  	[sflag:s28] =	ssyncset.done $0x0  }
0x69: {  	s15 =	sadd.s32 $0xFFFFFC00, s6;
	[sflag:s28] =	ssyncadd.s32 $0xFFFFE000  }
0x6a: {  	[hbm4b:s15+s3] =	stream.linear.scatter [tilespmem:s31], [sflag:$0x4], $0x2000, $0x38;
	v63 =	vld [tilespmem:$0x0]  }
0x6b: {  	_ =	swait.ge [sflag:s30], $0x2000  }
0x6c: {  	s4 =	simm.s32 $0x500;
	[sflag:s30] =	ssyncset.done $0x0  }
0x6d: {  	s5 =	sadd.s32 $0x1400, s6;
	s15 =	smov.u32 s6;
	[sflag:s30] =	ssyncadd.s32 $0xFFFFE000  }
.LBB2_2:
0x6e: {  	[hbm4b:s15+s3] =	stream.linear.scatter [tilespmem:s2], [sflag:$0x5], $0x2000, $0x38;
	v63 =	vld [tilespmem:$0x0]  }
0x6f: {  	s7 =	smov.u32 s4;
	s15 =	smov.u32 s5  }
0x70: {  	p1 =	sne.s32 s4, $0x9100;
	s4 =	sadd.s32 $0x500, s4;
	_ =	swait.ge [sflag:s19], $0x2000  }
0x71: {  	s7 =	sshra.s32 s7, $0x2;
	[sflag:s19] =	ssyncset.done $0x0  }
0x72: {  	s8 =	sadd.s32 $0x139C0, s7;
	[sflag:s19] =	ssyncadd.s32 $0xFFFFE000  }
0x73: {  	[tilespmem:s24], [sflag:$0x1] =	stream.indirect.gather [spmem:s1], $0x80, s8, s23, $0xb8;
	v63 =	vld [tilespmem:$0x0]  }
0x74: {  	_ =	swait.ge [sflag:s20], $0x2000  }
0x75: {  	[sflag:s20] =	ssyncset.done $0x0  }
0x76: {  	s8 =	sadd.s32 $0x13A00, s7;
	[sflag:s20] =	ssyncadd.s32 $0xFFFFE000  }
0x77: {  	[tilespmem:s26], [sflag:$0x2] =	stream.indirect.gather [spmem:s1], $0x80, s8, s23, $0xb8;
	v63 =	vld [tilespmem:$0x0]  }
0x78: {  	_ =	swait.ge [sflag:s25], $0x2000  }
0x79: {  	[sflag:s25] =	ssyncset.done $0x0  }
0x7a: {  	s8 =	sadd.s32 $0x13A40, s7;
	[sflag:s25] =	ssyncadd.s32 $0xFFFFE000  }
0x7b: {  	[tilespmem:s29], [sflag:$0x3] =	stream.indirect.gather [spmem:s1], $0x80, s8, s23, $0xb8;
	v63 =	vld [tilespmem:$0x0]  }
0x7c: {  	_ =	swait.ge [sflag:s28], $0x2000  }
0x7d: {  	[sflag:s28] =	ssyncset.done $0x0  }
0x7e: {  	s8 =	sadd.s32 $0x13A80, s7;
	[sflag:s28] =	ssyncadd.s32 $0xFFFFE000  }
0x7f: {  	[tilespmem:s31], [sflag:$0x4] =	stream.indirect.gather [spmem:s1], $0x80, s8, s23, $0xb8;
	v63 =	vld [tilespmem:$0x0]  }
0x80: {  	_ =	swait.ge [sflag:s30], $0x2000  }
0x81: {  	[sflag:s30] =	ssyncset.done $0x0  }
0x82: {  	s7 =	sadd.s32 $0x13AC0, s7;
	[sflag:s30] =	ssyncadd.s32 $0xFFFFE000  }
0x83: {  	[tilespmem:s2], [sflag:$0x5] =	stream.indirect.gather [spmem:s1], $0x80, s7, s23, $0xb8;
	v63 =	vld [tilespmem:$0x0]  }
0x84: {  	_ =	swait.ge [sflag:s19], $0x2000  }
0x85: {  	[sflag:s19] =	ssyncset.done $0x0  }
0x86: {  	s7 =	sadd.s32 $0xFFFFF000, s5;
	[sflag:s19] =	ssyncadd.s32 $0xFFFFE000  }
0x87: {  	[hbm4b:s7+s3] =	stream.linear.scatter [tilespmem:s24], [sflag:$0x1], $0x2000, $0x38;
	v63 =	vld [tilespmem:$0x0]  }
0x88: {  	_ =	swait.ge [sflag:s20], $0x2000  }
0x89: {  	[sflag:s20] =	ssyncset.done $0x0  }
0x8a: {  	s7 =	sadd.s32 $0xFFFFF400, s5;
	[sflag:s20] =	ssyncadd.s32 $0xFFFFE000  }
0x8b: {  	[hbm4b:s7+s3] =	stream.linear.scatter [tilespmem:s26], [sflag:$0x2], $0x2000, $0x38;
	v63 =	vld [tilespmem:$0x0]  }
0x8c: {  	_ =	swait.ge [sflag:s25], $0x2000  }
0x8d: {  	[sflag:s25] =	ssyncset.done $0x0  }
0x8e: {  	s7 =	sadd.s32 $0xFFFFF800, s5;
	[sflag:s25] =	ssyncadd.s32 $0xFFFFE000  }
0x8f: {  	[hbm4b:s7+s3] =	stream.linear.scatter [tilespmem:s29], [sflag:$0x3], $0x2000, $0x38;
	v63 =	vld [tilespmem:$0x0]  }
0x90: {  	_ =	swait.ge [sflag:s28], $0x2000  }
0x91: {  	[sflag:s28] =	ssyncset.done $0x0  }
.Ltmp0:
0x92: {  	s7 =	sadd.s32 $0xFFFFFC00, s5;
	[sflag:s28] =	ssyncadd.s32 $0xFFFFE000;
	(pc) =	sbr.rel @p1 .LBB2_2-.Ltmp0, $4  }
0x93: {  	[hbm4b:s7+s3] =	stream.linear.scatter [tilespmem:s31], [sflag:$0x4], $0x2000, $0x38;
	v63 =	vld [tilespmem:$0x0]  }
0x94: {  	_ =	swait.ge [sflag:s30], $0x2000  }
0x95: {  	[sflag:s30] =	ssyncset.done $0x0  }
0x96: {  	s5 =	sadd.s32 $0x1400, s5;
	[sflag:s30] =	ssyncadd.s32 $0xFFFFE000  }
0x97: {  	[hbm4b:s15+s3] =	stream.linear.scatter [tilespmem:s2], [sflag:$0x5], $0x2000, $0x38;
	v63 =	vld [tilespmem:$0x0]  }
0x98: {  	_ =	swait.ge [sflag:s19], $0x2000  }
0x99: {  	[sflag:s19] =	ssyncset.done $0x0  }
0x9a: {  	s4 =	simm.s32 $0x15F40;
	[sflag:s19] =	ssyncadd.s32 $0xFFFFE000  }
0x9b: {  	[tilespmem:s24], [sflag:$0x1] =	stream.indirect.gather [spmem:s1], $0x80, s4, s23, $0xb8;
	v63 =	vld [tilespmem:$0x0]  }
0x9c: {  	_ =	swait.ge [sflag:s20], $0x2000  }
0x9d: {  	[sflag:s20] =	ssyncset.done $0x0  }
0x9e: {  	s15 =	simm.s32 $0x10;
	s5 =	simm.s32 $0x15F80;
	[sflag:s20] =	ssyncadd.s32 $0xFFFFE000  }
0x9f: {  	[tilespmem:s26], [sflag:$0x2] =	stream.indirect.gather [spmem:s1], $0x80, s5, s15, $0xb8;
	v63 =	vld [tilespmem:$0x0]  }
0xa0: {  	_ =	swait.ge [sflag:s19], $0x2000  }
0xa1: {  	[sflag:s19] =	ssyncset.done $0x0  }
0xa2: {  	[sflag:s19] =	ssyncadd.s32 $0xFFFFE000  }
0xa3: {  	[hbm4b:s12+s3] =	stream.linear.scatter [tilespmem:s24], [sflag:$0x1], $0x2000, $0x38;
	v63 =	vld [tilespmem:$0x0]  }
0xa4: {  	_ =	swait.ge [sflag:s20], $0x800  }
0xa5: {  	[sflag:s20] =	ssyncset.done $0x0  }
0xa6: {  	[sflag:s20] =	ssyncadd.s32 $0xFFFFF800  }
0xa7: {  	[hbm4b:s13+s3] =	stream.linear.scatter [tilespmem:s26], [sflag:$0x2], $0x800, $0x38;
	v63 =	vld [tilespmem:$0x0]  }
0xa8: {  	_ =	swait.ge [sflag:s20], $0x800  }
0xa9: {  	[sflag:s20] =	ssyncset.done $0x0  }
0xaa: {  	[sflag:s20] =	ssyncadd.s32 $0xFFFFF800  }
0xab: {  	_ =	swait.ge [sflag:s19], $0x2000  }
0xac: {  	[sflag:s19] =	ssyncset.done $0x0  }
0xad: {  	[sflag:s19] =	ssyncadd.s32 $0xFFFFE000  }
0xae: {  	_ =	swait.ge [sflag:s25], $0x2000  }
0xaf: {  	[sflag:s25] =	ssyncset.done $0x0  }
0xb0: {  	s0 =	sadd.s32 $0x1, s0;
	[sflag:s25] =	ssyncadd.s32 $0xFFFFE000  }
0xb1: {  	p1 =	sne.s32 s0, s14;
	_ =	swait.ge [sflag:s28], $0x2000  }
.Ltmp1:
0xb2: {  	[sflag:s28] =	ssyncset.done $0x0;
	(pc) =	sbr.rel @p1 .LBB2_1-.Ltmp1, $4  }
0xb3: {  	[sflag:s28] =	ssyncadd.s32 $0xFFFFE000  }
0xb4: {  	_ =	swait.ge [sflag:s30], $0x2000  }
0xb5: {  	[sflag:s30] =	ssyncset.done $0x0  }
0xb6: {  	[sflag:s30] =	ssyncadd.s32 $0xFFFFE000  }
0xb7: {  	_ =	sfence.sel $0x180000  }
0xb8: {  	[bflag:$0x0] =	sbarrier.arrive $0xFFFF  }
0xb9: {  	_ =	strace $0x90000047  }
0xba: {  	s0 =	stileid.u32;
	[bflag:$0x2] =	sbarrier.arrive $0xFFFF  }
0xbb: {  	p0 =	sne.s32 s0, $0x0;
	s0 =	rddreg [dreg:$0x4]  }
0xbc: {  	s0 =	sadd.s32 @!p0 $0x100000, s0  }
0xbd: {  	[sflag:s0] =	ssyncadd.tile.s32 @!p0 $0x1;
	_ =	shalt  }
.Lfunc_end2:
_tile_overlayer_lowered:
.L_overlay_start_2:
0xbe: {  	(tag) =	ssettag $0x2  }
0xbf: {  	s0 =	rddreg [dreg:$0x0];
	s2 =	stileid.u32  }
0xc0: {  	s1 =	rddreg [dreg:$0x1];
	p0 =	sne.s32 s2, $0x0  }
0xc1: {  	s3 =	rddreg [dreg:$0x2];
	[bflag:$0x3] =	sbarrier.arrive $0xFFFF;
	s2 =	simm.s32 @!p0 $0x1C06  }
0xc2: {  	[timem:s3], [sflag:s2] =	dma.local @!p0 [hbm:s0], s1  }
0xc3: {  	s0 =	simm.s32 @!p0 $0x6  }
0xc4: {  	_ =	swait.ge @!p0 [sflag:s0], s1  }
0xc5: {  	s1 =	ssub.s32 @!p0 $0x0, s1;
	[sflag:s0] =	ssyncset.done @!p0 $0x0  }
0xc6: {  	[sflag:s0] =	ssyncadd.s32 @!p0 s1  }
0xc7: {  	[bflag:$0x3] =	sbarrier.arrive $0xFFFF  }
0xc8: {  	_ =	shalt  }

</sc_bundles>
